<compile_context>
chip_gen: v7x
topology: tpu7x:2x2x1
jax: 0.10.2.dev20260603
libtpu: 0.0.44.dev20260713+nightly
codegen_flags: <defaults>
</compile_context>

<pallas_src>
import functools

import jax
import jax.numpy as jnp
from jax import lax
from jax.experimental import pallas as pl
from jax.experimental.pallas import tpu as pltpu
from jax.experimental.pallas import tpu_sc as plsc

N_NODES = 10000
N_PAD = 10240
D = 128
E_EDGES = 320000
NUM_TILES = 32
CHUNK = 128
CHUNKS_PER_TILE = 80
GROUP_CHUNKS = 40
E_PAD = NUM_TILES * CHUNKS_PER_TILE * CHUNK
PAD_SRC = N_PAD - 1
PAD_DST = N_PAD - 2
ROWS_PER_TILE = N_PAD // 16
TC_BLOCK = 1280

_MESH = plsc.VectorSubcoreMesh(
    core_axis_name="c", subcore_axis_name="s", num_cores=2, num_subcores=16
)



def _deg_body(dst_hbm, ones_hbm, zeros_hbm, deg_hbm, dst_v, ones_v, acc, sem):
    c = lax.axis_index("c")
    s = lax.axis_index("s")
    w = c * 16 + s
    pltpu.sync_copy(dst_hbm.at[w], dst_v)
    pltpu.sync_copy(ones_hbm, ones_v)
    pltpu.sync_copy(zeros_hbm.at[pl.ds(s * ROWS_PER_TILE, ROWS_PER_TILE)],
                    acc.at[pl.ds(s * ROWS_PER_TILE, ROWS_PER_TILE)])
    plsc.subcore_barrier()

    def fire(j, carry):
        pltpu.async_copy(ones_v, acc.at[dst_v.at[j]], sem, add=True)
        return carry

    lax.fori_loop(0, CHUNKS_PER_TILE, fire, 0)

    def drain(j, carry):
        pltpu.make_async_copy(ones_v, acc.at[dst_v.at[0]], sem).wait()
        return carry

    lax.fori_loop(0, CHUNKS_PER_TILE, drain, 0)
    plsc.subcore_barrier()
    pltpu.sync_copy(acc.at[pl.ds(s * ROWS_PER_TILE, ROWS_PER_TILE)],
                    deg_hbm.at[c, pl.ds(s * ROWS_PER_TILE, ROWS_PER_TILE)])


_deg_kernel = functools.partial(
    pl.kernel,
    out_type=jax.ShapeDtypeStruct((2, N_PAD, D), jnp.float32),
    mesh=_MESH,
    scratch_types=[
        pltpu.VMEM((CHUNKS_PER_TILE, CHUNK), jnp.int32),
        pltpu.VMEM((CHUNK, D), jnp.float32),
        pltpu.VMEM_SHARED((N_PAD, D), jnp.float32),
        pltpu.SemaphoreType.DMA,
    ],
)(_deg_body)


def _agg_body(src_hbm, dst_hbm, hs_hbm, zeros_hbm, out_hbm,
              src_v, dst_v, buf_a, buf_b, acc, sem_a, sem_b, sem_sa, sem_sb):
    c = lax.axis_index("c")
    s = lax.axis_index("s")
    w = c * 16 + s
    pltpu.sync_copy(zeros_hbm.at[pl.ds(s * ROWS_PER_TILE, ROWS_PER_TILE)],
                    acc.at[pl.ds(s * ROWS_PER_TILE, ROWS_PER_TILE)])
    plsc.subcore_barrier()

    def gather(j, buf, sem):
        return pltpu.make_async_copy(hs_hbm.at[src_v.at[j]], buf, sem)

    def scatter(j, buf, sem):
        return pltpu.make_async_copy(buf, acc.at[dst_v.at[j]], sem)

    def scatter_start(j, buf, sem):
        pltpu.async_copy(buf, acc.at[dst_v.at[j]], sem, add=True)

    for g in range(CHUNKS_PER_TILE // GROUP_CHUNKS):
        pltpu.sync_copy(src_hbm.at[w, pl.ds(g * GROUP_CHUNKS, GROUP_CHUNKS)],
                        src_v)
        pltpu.sync_copy(dst_hbm.at[w, pl.ds(g * GROUP_CHUNKS, GROUP_CHUNKS)],
                        dst_v)
        gather(0, buf_a, sem_a).start()
        gather(1, buf_b, sem_b).start()

        def body(i, carry):
            j = 2 * i
            gather(j, buf_a, sem_a).wait()
            scatter_start(j, buf_a, sem_sa)
            gather(j + 1, buf_b, sem_b).wait()
            scatter_start(j + 1, buf_b, sem_sb)
            scatter(j, buf_a, sem_sa).wait()
            gather(j + 2, buf_a, sem_a).start()
            scatter(j + 1, buf_b, sem_sb).wait()
            gather(j + 3, buf_b, sem_b).start()
            return carry

        lax.fori_loop(0, GROUP_CHUNKS // 2 - 1, body, 0)
        j = GROUP_CHUNKS - 2
        gather(j, buf_a, sem_a).wait()
        scatter_start(j, buf_a, sem_sa)
        gather(j + 1, buf_b, sem_b).wait()
        scatter_start(j + 1, buf_b, sem_sb)
        scatter(j, buf_a, sem_sa).wait()
        scatter(j + 1, buf_b, sem_sb).wait()

    plsc.subcore_barrier()
    pltpu.sync_copy(acc.at[pl.ds(s * ROWS_PER_TILE, ROWS_PER_TILE)],
                    out_hbm.at[c, pl.ds(s * ROWS_PER_TILE, ROWS_PER_TILE)])


_agg_kernel = functools.partial(
    pl.kernel,
    out_type=jax.ShapeDtypeStruct((2, N_PAD, D), jnp.float32),
    mesh=_MESH,
    scratch_types=[
        pltpu.VMEM((GROUP_CHUNKS, CHUNK), jnp.int32),
        pltpu.VMEM((GROUP_CHUNKS, CHUNK), jnp.int32),
        pltpu.VMEM((CHUNK, D), jnp.float32),
        pltpu.VMEM((CHUNK, D), jnp.float32),
        pltpu.VMEM_SHARED((N_PAD, D), jnp.float32),
        pltpu.SemaphoreType.DMA,
        pltpu.SemaphoreType.DMA,
        pltpu.SemaphoreType.DMA,
        pltpu.SemaphoreType.DMA,
    ],
)(_agg_body)



def _dinv(dega_ref, degb_ref):
    deg = dega_ref[:, :1] + degb_ref[:, :1] + 1.0
    return lax.rsqrt(deg)


def _tc1_body(x_ref, wl_ref, bl_ref, dega_ref, degb_ref, o_ref):
    h0 = jnp.dot(x_ref[...], wl_ref[...],
                 preferred_element_type=jnp.float32) + bl_ref[...]
    o_ref[...] = _dinv(dega_ref, degb_ref) * h0


def _tc2_body(acca_ref, accb_ref, hs0_ref, dega_ref, degb_ref,
              w1_ref, b1_ref, o_ref):
    dinv = _dinv(dega_ref, degb_ref)
    a = dinv * (acca_ref[...] + accb_ref[...] + hs0_ref[...])
    h1 = jnp.maximum(
        jnp.dot(a, w1_ref[...], preferred_element_type=jnp.float32)
        + b1_ref[...], 0.0)
    o_ref[...] = dinv * h1


def _tc3_body(acca_ref, accb_ref, hs1_ref, dega_ref, degb_ref,
              w23_ref, b23_ref, o_ref):
    dinv = _dinv(dega_ref, degb_ref)
    a = dinv * (acca_ref[...] + accb_ref[...] + hs1_ref[...])
    f = jnp.dot(a, w23_ref[...], preferred_element_type=jnp.float32) \
        + b23_ref[...]
    col = lax.broadcasted_iota(jnp.int32, f.shape, 1)
    o_ref[...] = jnp.where(col >= 64, jnp.maximum(f, 0.0), f)


def _row_spec(width):
    return pl.BlockSpec((TC_BLOCK, width), lambda i: (i, 0))


def _full_spec(shape):
    return pl.BlockSpec(shape, lambda i: tuple(0 for _ in shape))


def _make_tc(body, in_specs):
    return pl.pallas_call(
        body,
        grid=(N_PAD // TC_BLOCK,),
        in_specs=in_specs,
        out_specs=_row_spec(D),
        out_shape=jax.ShapeDtypeStruct((N_PAD, D), jnp.float32),
    )


_DEG_SPECS = [_row_spec(D), _row_spec(D)]
_W_SPECS = [_full_spec((D, D)), _full_spec((1, D))]
_tc1 = _make_tc(_tc1_body, [_row_spec(D)] + _W_SPECS + _DEG_SPECS)
_tc2 = _make_tc(_tc2_body, [_row_spec(D)] * 3 + _DEG_SPECS + _W_SPECS)
_tc3 = _make_tc(_tc3_body, [_row_spec(D)] * 3 + _DEG_SPECS + _W_SPECS)



def kernel(x, edge_index, Wl, bl, W1, b1, W2, b2, W3, b3):
    src = edge_index[0]
    dst = edge_index[1]
    pad_e = E_PAD - E_EDGES
    pad_idx = N_NODES + (jnp.arange(pad_e, dtype=jnp.int32) % (N_PAD - N_NODES))
    src = jnp.concatenate([src, pad_idx]).reshape(
        NUM_TILES, CHUNKS_PER_TILE, CHUNK)
    dst = jnp.concatenate([dst, pad_idx]).reshape(
        NUM_TILES, CHUNKS_PER_TILE, CHUNK)

    x_pad = jnp.zeros((N_PAD, D), jnp.float32).at[:N_NODES].set(x)
    zeros_d = jnp.zeros((N_PAD, D), jnp.float32)
    ones_row = jnp.ones((CHUNK, D), jnp.float32)

    deg = _deg_kernel(dst, ones_row, zeros_d)
    dega, degb = deg[0], deg[1]

    bl2 = bl.reshape(1, D)
    b12 = b1.reshape(1, D)
    w23 = jnp.concatenate([W2, W3], axis=1)
    b23 = jnp.concatenate([b2, b3]).reshape(1, D)

    hs0 = _tc1(x_pad, Wl, bl2, dega, degb)
    acc1 = _agg_kernel(src, dst, hs0, zeros_d)
    hs1 = _tc2(acc1[0], acc1[1], hs0, dega, degb, W1, b12)
    acc2 = _agg_kernel(src, dst, hs1, zeros_d)
    out = _tc3(acc2[0], acc2[1], hs1, dega, degb, w23, b23)

    mu = out[:N_NODES, :64]
    logvar = out[:N_NODES, 64:]
    return (mu, logvar)

# --- scband reference (transcript-rebuilt; emitter-appended) ---
"""Pipeline reference for scband-gcnencoder-73796128080058 (READ-ONLY COPY).

The authoritative reference and input builder live on the scoring server;
editing this copy changes nothing except your own understanding.
"""

import jax, jax.numpy as jnp
import numpy as np
import math

N = 10000
E = 320000
D_LIN = 128
D_IN = 128
D_HID = 128
D_OUT = 64

def setup_inputs(seed: int = 0):
    key = jax.random.key(seed)
    ks = jax.random.split(key, 12)
    x = jax.random.normal(ks[0], (N, D_LIN), dtype=jnp.float32)
    edge_index = jax.random.randint(ks[1], (2, E), 0, N, dtype=jnp.int32)
    s = lambda fi, fo: 1.0 / math.sqrt(fi)
    Wl = jax.random.normal(ks[2], (D_LIN, D_IN), dtype=jnp.float32) * s(D_LIN, D_IN)
    bl = jax.random.normal(ks[3], (D_IN,), dtype=jnp.float32) * 0.01
    W1 = jax.random.normal(ks[4], (D_IN, D_HID), dtype=jnp.float32) * s(D_IN, D_HID)
    b1 = jnp.zeros((D_HID,), dtype=jnp.float32)
    W2 = jax.random.normal(ks[5], (D_HID, D_OUT), dtype=jnp.float32) * s(D_HID, D_OUT)
    b2 = jnp.zeros((D_OUT,), dtype=jnp.float32)
    W3 = jax.random.normal(ks[6], (D_HID, D_OUT), dtype=jnp.float32) * s(D_HID, D_OUT)
    b3 = jnp.zeros((D_OUT,), dtype=jnp.float32)
    return {"x": x, "edge_index": edge_index, "Wl": Wl, "bl": bl, "W1": W1, "b1": b1, "W2": W2, "b2": b2, "W3": W3, "b3": b3}

def gcn_conv(x, edge_index, W, b):
    # PyG GCNConv: add self-loops, symmetric normalization, linear transform, sum-aggregate, bias
    n = x.shape[0]
    loop = jnp.arange(n, dtype=edge_index.dtype)
    src = jnp.concatenate([edge_index[0], loop])
    dst = jnp.concatenate([edge_index[1], loop])
    h = x @ W
    deg = jax.ops.segment_sum(jnp.ones_like(src, dtype=h.dtype), dst, num_segments=n)
    dinv = jnp.where(deg > 0, deg ** -0.5, 0.0)
    norm = dinv[src] * dinv[dst]
    msg = h[src] * norm[:, None]
    out = jax.ops.segment_sum(msg, dst, num_segments=n)
    return out + b

def reference(x, edge_index, Wl, bl, W1, b1, W2, b2, W3, b3):
    h = x @ Wl + bl
    h = jax.nn.relu(gcn_conv(h, edge_index, W1, b1))
    mu = gcn_conv(h, edge_index, W2, b2)
    logvar = jax.nn.relu(gcn_conv(h, edge_index, W3, b3))
    return (mu, logvar)

if __name__ == "__main__":
    import jax
    _d = setup_inputs()
    print(jax.jit(kernel)(*tuple(_d.values())))

</pallas_src>

<mosaic_0001>
#map = affine_map<(d0, d1) -> (0, 0, 0)>
#map1 = affine_map<(d0, d1) -> (0, 0)>
module attributes {stable_mosaic.version = 14 : i64} {
  func.func @_deg_body(%arg0: i32, %arg1: i32, %arg2: memref<32x80x128xi32, #tpu.memory_space<hbm>>, %arg3: memref<128x128xf32, #tpu.memory_space<hbm>>, %arg4: memref<10240x128xf32, #tpu.memory_space<hbm>>, %arg5: memref<2x10240x128xf32, #tpu.memory_space<hbm>>, %arg6: memref<80x128xi32, #tpu.memory_space<vmem>>, %arg7: memref<128x128xf32, #tpu.memory_space<vmem>>, %arg8: memref<10240x128xf32, #tpu.memory_space<vmem_shared>>, %arg9: memref<!tpu.dma_semaphore, #tpu.memory_space<semaphore_mem>>) attributes {dimension_semantics = [#tpu.dimension_semantics<core_parallel>, #tpu.dimension_semantics<subcore_parallel>], iteration_bounds = array<i64: 2, 16>, scalar_prefetch = 0 : i64, scratch_operands = 4 : i64, tpu.core_type = #tpu.core_type<sc_vector_subcore>, window_params = [{transform_indices = #map}, {transform_indices = #map1}, {transform_indices = #map1}, {transform_indices = #map}]} {
    %mul3A = arith.constant 16 : i32
    %mul3A_0 = arith.muli %arg0, %mul3A : i32
    %add3A = arith.addi %mul3A_0, %arg1 : i32
    "tpu.region"() ({
      %run_scoped3A = tpu.sem_alloc : memref<!tpu.dma_semaphore, #tpu.memory_space<semaphore_mem>>
      %dma_start3A = arith.constant 0 : i32
      %dma_start3A_21 = arith.constant 0 : i32
      %dma_start3A_22 = tpu.memref_slice %arg2[%add3A, %dma_start3A, %dma_start3A_21] : memref<32x80x128xi32, #tpu.memory_space<hbm>> -> memref<1x80x128xi32, #tpu.memory_space<hbm>>
      %dma_start3A_23 = tpu.memref_squeeze %dma_start3A_22 : memref<1x80x128xi32, #tpu.memory_space<hbm>> -> memref<80x128xi32, #tpu.memory_space<hbm>>
      %dma_start3A_24 = arith.constant 0 : i32
      %dma_start3A_25 = arith.constant 0 : i32
      %dma_start3A_26 = tpu.memref_slice %arg2[%add3A, %dma_start3A_24, %dma_start3A_25] : memref<32x80x128xi32, #tpu.memory_space<hbm>> -> memref<1x80x128xi32, #tpu.memory_space<hbm>>
      %dma_start3A_27 = tpu.memref_squeeze %dma_start3A_26 : memref<1x80x128xi32, #tpu.memory_space<hbm>> -> memref<80x128xi32, #tpu.memory_space<hbm>>
      tpu.enqueue_dma source(%dma_start3A_27 : memref<80x128xi32, #tpu.memory_space<hbm>>) target(%arg6 : memref<80x128xi32, #tpu.memory_space<vmem>>) target_semaphore(%run_scoped3A : memref<!tpu.dma_semaphore, #tpu.memory_space<semaphore_mem>>)
      %dma_wait3A = arith.constant 0 : i32
      %dma_wait3A_28 = arith.constant 0 : i32
      %dma_wait3A_29 = tpu.memref_slice %arg2[%add3A, %dma_wait3A, %dma_wait3A_28] : memref<32x80x128xi32, #tpu.memory_space<hbm>> -> memref<1x80x128xi32, #tpu.memory_space<hbm>>
      %dma_wait3A_30 = tpu.memref_squeeze %dma_wait3A_29 : memref<1x80x128xi32, #tpu.memory_space<hbm>> -> memref<80x128xi32, #tpu.memory_space<hbm>>
      %dma_wait3A_31 = arith.constant 0 : i32
      %dma_wait3A_32 = arith.constant 0 : i32
      %dma_wait3A_33 = tpu.memref_slice %arg2[%add3A, %dma_wait3A_31, %dma_wait3A_32] : memref<32x80x128xi32, #tpu.memory_space<hbm>> -> memref<1x80x128xi32, #tpu.memory_space<hbm>>
      %dma_wait3A_34 = tpu.memref_squeeze %dma_wait3A_33 : memref<1x80x128xi32, #tpu.memory_space<hbm>> -> memref<80x128xi32, #tpu.memory_space<hbm>>
      tpu.wait_dma2 semaphore(%run_scoped3A : memref<!tpu.dma_semaphore, #tpu.memory_space<semaphore_mem>>) src(%dma_wait3A_34 : memref<80x128xi32, #tpu.memory_space<hbm>>) dst(%arg6 : memref<80x128xi32, #tpu.memory_space<vmem>>)
      tpu.yield
    }) : () -> ()
    "tpu.region"() ({
      %run_scoped3A = tpu.sem_alloc : memref<!tpu.dma_semaphore, #tpu.memory_space<semaphore_mem>>
      tpu.enqueue_dma source(%arg3 : memref<128x128xf32, #tpu.memory_space<hbm>>) target(%arg7 : memref<128x128xf32, #tpu.memory_space<vmem>>) target_semaphore(%run_scoped3A : memref<!tpu.dma_semaphore, #tpu.memory_space<semaphore_mem>>)
      tpu.wait_dma2 semaphore(%run_scoped3A : memref<!tpu.dma_semaphore, #tpu.memory_space<semaphore_mem>>) src(%arg3 : memref<128x128xf32, #tpu.memory_space<hbm>>) dst(%arg7 : memref<128x128xf32, #tpu.memory_space<vmem>>)
      tpu.yield
    }) : () -> ()
    %mul3A_1 = arith.constant 640 : i32
    %mul3A_2 = arith.muli %arg1, %mul3A_1 : i32
    %mul3A_3 = arith.constant 640 : i32
    %mul3A_4 = arith.muli %arg1, %mul3A_3 : i32
    "tpu.region"() ({
      %run_scoped3A = tpu.sem_alloc : memref<!tpu.dma_semaphore, #tpu.memory_space<semaphore_mem>>
      %dma_start3A = arith.constant 0 : i32
      %dma_start3A_21 = tpu.memref_slice %arg8[%mul3A_4, %dma_start3A] : memref<10240x128xf32, #tpu.memory_space<vmem_shared>> -> memref<640x128xf32, #tpu.memory_space<vmem_shared>>
      %dma_start3A_22 = arith.constant 0 : i32
      %dma_start3A_23 = tpu.memref_slice %arg4[%mul3A_2, %dma_start3A_22] : memref<10240x128xf32, #tpu.memory_space<hbm>> -> memref<640x128xf32, #tpu.memory_space<hbm>>
      tpu.enqueue_dma source(%dma_start3A_23 : memref<640x128xf32, #tpu.memory_space<hbm>>) target(%dma_start3A_21 : memref<640x128xf32, #tpu.memory_space<vmem_shared>>) target_semaphore(%run_scoped3A : memref<!tpu.dma_semaphore, #tpu.memory_space<semaphore_mem>>)
      %dma_wait3A = arith.constant 0 : i32
      %dma_wait3A_24 = tpu.memref_slice %arg8[%mul3A_4, %dma_wait3A] : memref<10240x128xf32, #tpu.memory_space<vmem_shared>> -> memref<640x128xf32, #tpu.memory_space<vmem_shared>>
      %dma_wait3A_25 = arith.constant 0 : i32
      %dma_wait3A_26 = tpu.memref_slice %arg4[%mul3A_2, %dma_wait3A_25] : memref<10240x128xf32, #tpu.memory_space<hbm>> -> memref<640x128xf32, #tpu.memory_space<hbm>>
      tpu.wait_dma2 semaphore(%run_scoped3A : memref<!tpu.dma_semaphore, #tpu.memory_space<semaphore_mem>>) src(%dma_wait3A_26 : memref<640x128xf32, #tpu.memory_space<hbm>>) dst(%dma_wait3A_24 : memref<640x128xf32, #tpu.memory_space<vmem_shared>>)
      tpu.yield
    }) : () -> ()
    %barrier3A = arith.constant 0 : index
    tpu.barrier barrier_id(%barrier3A)
    %scan3A = arith.constant 0 : i32
    %scan3A_5 = arith.constant 0 : i32
    %scan3A_6 = arith.constant 80 : i32
    %scan3A_7 = arith.addi %scan3A_5, %scan3A_6 : i32
    %scan3A_8 = arith.constant 1 : i32
    scf.for %scan3A_21 = %scan3A_5 to %scan3A_7 step %scan3A_8  : i32 {
      %dma_start3A = arith.constant 0 : i32
      %dma_start3A_22 = tpu.memref_slice %arg6[%scan3A_21, %dma_start3A] : memref<80x128xi32, #tpu.memory_space<vmem>> -> memref<1x128xi32, #tpu.memory_space<vmem>>
      %dma_start3A_23 = tpu.memref_squeeze %dma_start3A_22 : memref<1x128xi32, #tpu.memory_space<vmem>> -> memref<128xi32, #tpu.memory_space<vmem>>
      %dma_start3A_24 = arith.constant 0 : i32
      %dma_start3A_25 = arith.constant 0 : i32
      %dma_start3A_26 = tpu.memref_slice %arg8[%dma_start3A_24, %dma_start3A_25] : memref<10240x128xf32, #tpu.memory_space<vmem_shared>> -> memref<10240x128xf32, #tpu.memory_space<vmem_shared>>
      tpu.enqueue_indirect_dma source(%arg7 : memref<128x128xf32, #tpu.memory_space<vmem>>) target(%dma_start3A_26 : memref<10240x128xf32, #tpu.memory_space<vmem_shared>>) offsets(%dma_start3A_23 : memref<128xi32, #tpu.memory_space<vmem>>) semaphore(%arg9 : memref<!tpu.dma_semaphore, #tpu.memory_space<semaphore_mem>>) {add = true}
    }
    %scan3A_9 = arith.constant 80 : i32
    %scan3A_10 = arith.constant 0 : i32
    %scan3A_11 = arith.constant 0 : i32
    %scan3A_12 = arith.constant 80 : i32
    %scan3A_13 = arith.addi %scan3A_11, %scan3A_12 : i32
    %scan3A_14 = arith.constant 1 : i32
    scf.for %scan3A_21 = %scan3A_11 to %scan3A_13 step %scan3A_14  : i32 {
      %dma_wait3A = arith.constant 0 : i32
      %dma_wait3A_22 = arith.constant 0 : i32
      %dma_wait3A_23 = tpu.memref_slice %arg6[%dma_wait3A, %dma_wait3A_22] : memref<80x128xi32, #tpu.memory_space<vmem>> -> memref<1x128xi32, #tpu.memory_space<vmem>>
      %dma_wait3A_24 = tpu.memref_squeeze %dma_wait3A_23 : memref<1x128xi32, #tpu.memory_space<vmem>> -> memref<128xi32, #tpu.memory_space<vmem>>
      %dma_wait3A_25 = arith.constant 0 : i32
      %dma_wait3A_26 = arith.constant 0 : i32
      %dma_wait3A_27 = tpu.memref_slice %arg8[%dma_wait3A_25, %dma_wait3A_26] : memref<10240x128xf32, #tpu.memory_space<vmem_shared>> -> memref<10240x128xf32, #tpu.memory_space<vmem_shared>>
      tpu.wait_indirect_dma semaphore(%arg9 : memref<!tpu.dma_semaphore, #tpu.memory_space<semaphore_mem>>) src(%arg7 : memref<128x128xf32, #tpu.memory_space<vmem>>) dst(%dma_wait3A_27 : memref<10240x128xf32, #tpu.memory_space<vmem_shared>>)
    }
    %scan3A_15 = arith.constant 80 : i32
    %barrier3A_16 = arith.constant 0 : index
    tpu.barrier barrier_id(%barrier3A_16)
    %mul3A_17 = arith.constant 640 : i32
    %mul3A_18 = arith.muli %arg1, %mul3A_17 : i32
    %mul3A_19 = arith.constant 640 : i32
    %mul3A_20 = arith.muli %arg1, %mul3A_19 : i32
    "tpu.region"() ({
      %run_scoped3A = tpu.sem_alloc : memref<!tpu.dma_semaphore, #tpu.memory_space<semaphore_mem>>
      %dma_start3A = arith.constant 0 : i32
      %dma_start3A_21 = tpu.memref_slice %arg5[%arg0, %mul3A_20, %dma_start3A] : memref<2x10240x128xf32, #tpu.memory_space<hbm>> -> memref<1x640x128xf32, #tpu.memory_space<hbm>>
      %dma_start3A_22 = tpu.memref_squeeze %dma_start3A_21 : memref<1x640x128xf32, #tpu.memory_space<hbm>> -> memref<640x128xf32, #tpu.memory_space<hbm>>
      %dma_start3A_23 = arith.constant 0 : i32
      %dma_start3A_24 = tpu.memref_slice %arg8[%mul3A_18, %dma_start3A_23] : memref<10240x128xf32, #tpu.memory_space<vmem_shared>> -> memref<640x128xf32, #tpu.memory_space<vmem_shared>>
      tpu.enqueue_dma source(%dma_start3A_24 : memref<640x128xf32, #tpu.memory_space<vmem_shared>>) target(%dma_start3A_22 : memref<640x128xf32, #tpu.memory_space<hbm>>) target_semaphore(%run_scoped3A : memref<!tpu.dma_semaphore, #tpu.memory_space<semaphore_mem>>)
      %dma_wait3A = arith.constant 0 : i32
      %dma_wait3A_25 = tpu.memref_slice %arg5[%arg0, %mul3A_20, %dma_wait3A] : memref<2x10240x128xf32, #tpu.memory_space<hbm>> -> memref<1x640x128xf32, #tpu.memory_space<hbm>>
      %dma_wait3A_26 = tpu.memref_squeeze %dma_wait3A_25 : memref<1x640x128xf32, #tpu.memory_space<hbm>> -> memref<640x128xf32, #tpu.memory_space<hbm>>
      %dma_wait3A_27 = arith.constant 0 : i32
      %dma_wait3A_28 = tpu.memref_slice %arg8[%mul3A_18, %dma_wait3A_27] : memref<10240x128xf32, #tpu.memory_space<vmem_shared>> -> memref<640x128xf32, #tpu.memory_space<vmem_shared>>
      tpu.wait_dma2 semaphore(%run_scoped3A : memref<!tpu.dma_semaphore, #tpu.memory_space<semaphore_mem>>) src(%dma_wait3A_28 : memref<640x128xf32, #tpu.memory_space<vmem_shared>>) dst(%dma_wait3A_26 : memref<640x128xf32, #tpu.memory_space<hbm>>)
      tpu.yield
    }) : () -> ()
    return
  }
}

#map = affine_map<(d0, d1) -> (0, 0, 0)>
#map1 = affine_map<(d0, d1) -> (0, 0)>
module attributes {stable_mosaic.version = 14 : i64} {
  func.func @_agg_body(%arg0: i32, %arg1: i32, %arg2: memref<32x80x128xi32, #tpu.memory_space<hbm>>, %arg3: memref<32x80x128xi32, #tpu.memory_space<hbm>>, %arg4: memref<10240x128xf32, #tpu.memory_space<hbm>>, %arg5: memref<10240x128xf32, #tpu.memory_space<hbm>>, %arg6: memref<2x10240x128xf32, #tpu.memory_space<hbm>>, %arg7: memref<40x128xi32, #tpu.memory_space<vmem>>, %arg8: memref<40x128xi32, #tpu.memory_space<vmem>>, %arg9: memref<128x128xf32, #tpu.memory_space<vmem>>, %arg10: memref<128x128xf32, #tpu.memory_space<vmem>>, %arg11: memref<10240x128xf32, #tpu.memory_space<vmem_shared>>, %arg12: memref<!tpu.dma_semaphore, #tpu.memory_space<semaphore_mem>>, %arg13: memref<!tpu.dma_semaphore, #tpu.memory_space<semaphore_mem>>, %arg14: memref<!tpu.dma_semaphore, #tpu.memory_space<semaphore_mem>>, %arg15: memref<!tpu.dma_semaphore, #tpu.memory_space<semaphore_mem>>) attributes {dimension_semantics = [#tpu.dimension_semantics<core_parallel>, #tpu.dimension_semantics<subcore_parallel>], iteration_bounds = array<i64: 2, 16>, scalar_prefetch = 0 : i64, scratch_operands = 9 : i64, tpu.core_type = #tpu.core_type<sc_vector_subcore>, window_params = [{transform_indices = #map}, {transform_indices = #map}, {transform_indices = #map1}, {transform_indices = #map1}, {transform_indices = #map}]} {
    %mul3A = arith.constant 16 : i32
    %mul3A_0 = arith.muli %arg0, %mul3A : i32
    %add3A = arith.addi %mul3A_0, %arg1 : i32
    %mul3A_1 = arith.constant 640 : i32
    %mul3A_2 = arith.muli %arg1, %mul3A_1 : i32
    %mul3A_3 = arith.constant 640 : i32
    %mul3A_4 = arith.muli %arg1, %mul3A_3 : i32
    "tpu.region"() ({
      %run_scoped3A = tpu.sem_alloc : memref<!tpu.dma_semaphore, #tpu.memory_space<semaphore_mem>>
      %dma_start3A_131 = arith.constant 0 : i32
      %dma_start3A_132 = tpu.memref_slice %arg11[%mul3A_4, %dma_start3A_131] : memref<10240x128xf32, #tpu.memory_space<vmem_shared>> -> memref<640x128xf32, #tpu.memory_space<vmem_shared>>
      %dma_start3A_133 = arith.constant 0 : i32
      %dma_start3A_134 = tpu.memref_slice %arg5[%mul3A_2, %dma_start3A_133] : memref<10240x128xf32, #tpu.memory_space<hbm>> -> memref<640x128xf32, #tpu.memory_space<hbm>>
      tpu.enqueue_dma source(%dma_start3A_134 : memref<640x128xf32, #tpu.memory_space<hbm>>) target(%dma_start3A_132 : memref<640x128xf32, #tpu.memory_space<vmem_shared>>) target_semaphore(%run_scoped3A : memref<!tpu.dma_semaphore, #tpu.memory_space<semaphore_mem>>)
      %dma_wait3A_135 = arith.constant 0 : i32
      %dma_wait3A_136 = tpu.memref_slice %arg11[%mul3A_4, %dma_wait3A_135] : memref<10240x128xf32, #tpu.memory_space<vmem_shared>> -> memref<640x128xf32, #tpu.memory_space<vmem_shared>>
      %dma_wait3A_137 = arith.constant 0 : i32
      %dma_wait3A_138 = tpu.memref_slice %arg5[%mul3A_2, %dma_wait3A_137] : memref<10240x128xf32, #tpu.memory_space<hbm>> -> memref<640x128xf32, #tpu.memory_space<hbm>>
      tpu.wait_dma2 semaphore(%run_scoped3A : memref<!tpu.dma_semaphore, #tpu.memory_space<semaphore_mem>>) src(%dma_wait3A_138 : memref<640x128xf32, #tpu.memory_space<hbm>>) dst(%dma_wait3A_136 : memref<640x128xf32, #tpu.memory_space<vmem_shared>>)
      tpu.yield
    }) : () -> ()
    %barrier3A = arith.constant 0 : index
    tpu.barrier barrier_id(%barrier3A)
    "tpu.region"() ({
      %run_scoped3A = tpu.sem_alloc : memref<!tpu.dma_semaphore, #tpu.memory_space<semaphore_mem>>
      %dma_start3A_131 = arith.constant 0 : i32
      %dma_start3A_132 = arith.constant 0 : i32
      %dma_start3A_133 = tpu.memref_slice %arg2[%add3A, %dma_start3A_131, %dma_start3A_132] : memref<32x80x128xi32, #tpu.memory_space<hbm>> -> memref<1x40x128xi32, #tpu.memory_space<hbm>>
      %dma_start3A_134 = tpu.memref_squeeze %dma_start3A_133 : memref<1x40x128xi32, #tpu.memory_space<hbm>> -> memref<40x128xi32, #tpu.memory_space<hbm>>
      %dma_start3A_135 = arith.constant 0 : i32
      %dma_start3A_136 = arith.constant 0 : i32
      %dma_start3A_137 = tpu.memref_slice %arg2[%add3A, %dma_start3A_135, %dma_start3A_136] : memref<32x80x128xi32, #tpu.memory_space<hbm>> -> memref<1x40x128xi32, #tpu.memory_space<hbm>>
      %dma_start3A_138 = tpu.memref_squeeze %dma_start3A_137 : memref<1x40x128xi32, #tpu.memory_space<hbm>> -> memref<40x128xi32, #tpu.memory_space<hbm>>
      tpu.enqueue_dma source(%dma_start3A_138 : memref<40x128xi32, #tpu.memory_space<hbm>>) target(%arg7 : memref<40x128xi32, #tpu.memory_space<vmem>>) target_semaphore(%run_scoped3A : memref<!tpu.dma_semaphore, #tpu.memory_space<semaphore_mem>>)
      %dma_wait3A_139 = arith.constant 0 : i32
      %dma_wait3A_140 = arith.constant 0 : i32
      %dma_wait3A_141 = tpu.memref_slice %arg2[%add3A, %dma_wait3A_139, %dma_wait3A_140] : memref<32x80x128xi32, #tpu.memory_space<hbm>> -> memref<1x40x128xi32, #tpu.memory_space<hbm>>
      %dma_wait3A_142 = tpu.memref_squeeze %dma_wait3A_141 : memref<1x40x128xi32, #tpu.memory_space<hbm>> -> memref<40x128xi32, #tpu.memory_space<hbm>>
      %dma_wait3A_143 = arith.constant 0 : i32
      %dma_wait3A_144 = arith.constant 0 : i32
      %dma_wait3A_145 = tpu.memref_slice %arg2[%add3A, %dma_wait3A_143, %dma_wait3A_144] : memref<32x80x128xi32, #tpu.memory_space<hbm>> -> memref<1x40x128xi32, #tpu.memory_space<hbm>>
      %dma_wait3A_146 = tpu.memref_squeeze %dma_wait3A_145 : memref<1x40x128xi32, #tpu.memory_space<hbm>> -> memref<40x128xi32, #tpu.memory_space<hbm>>
      tpu.wait_dma2 semaphore(%run_scoped3A : memref<!tpu.dma_semaphore, #tpu.memory_space<semaphore_mem>>) src(%dma_wait3A_146 : memref<40x128xi32, #tpu.memory_space<hbm>>) dst(%arg7 : memref<40x128xi32, #tpu.memory_space<vmem>>)
      tpu.yield
    }) : () -> ()
    "tpu.region"() ({
      %run_scoped3A = tpu.sem_alloc : memref<!tpu.dma_semaphore, #tpu.memory_space<semaphore_mem>>
      %dma_start3A_131 = arith.constant 0 : i32
      %dma_start3A_132 = arith.constant 0 : i32
      %dma_start3A_133 = tpu.memref_slice %arg3[%add3A, %dma_start3A_131, %dma_start3A_132] : memref<32x80x128xi32, #tpu.memory_space<hbm>> -> memref<1x40x128xi32, #tpu.memory_space<hbm>>
      %dma_start3A_134 = tpu.memref_squeeze %dma_start3A_133 : memref<1x40x128xi32, #tpu.memory_space<hbm>> -> memref<40x128xi32, #tpu.memory_space<hbm>>
      %dma_start3A_135 = arith.constant 0 : i32
      %dma_start3A_136 = arith.constant 0 : i32
      %dma_start3A_137 = tpu.memref_slice %arg3[%add3A, %dma_start3A_135, %dma_start3A_136] : memref<32x80x128xi32, #tpu.memory_space<hbm>> -> memref<1x40x128xi32, #tpu.memory_space<hbm>>
      %dma_start3A_138 = tpu.memref_squeeze %dma_start3A_137 : memref<1x40x128xi32, #tpu.memory_space<hbm>> -> memref<40x128xi32, #tpu.memory_space<hbm>>
      tpu.enqueue_dma source(%dma_start3A_138 : memref<40x128xi32, #tpu.memory_space<hbm>>) target(%arg8 : memref<40x128xi32, #tpu.memory_space<vmem>>) target_semaphore(%run_scoped3A : memref<!tpu.dma_semaphore, #tpu.memory_space<semaphore_mem>>)
      %dma_wait3A_139 = arith.constant 0 : i32
      %dma_wait3A_140 = arith.constant 0 : i32
      %dma_wait3A_141 = tpu.memref_slice %arg3[%add3A, %dma_wait3A_139, %dma_wait3A_140] : memref<32x80x128xi32, #tpu.memory_space<hbm>> -> memref<1x40x128xi32, #tpu.memory_space<hbm>>
      %dma_wait3A_142 = tpu.memref_squeeze %dma_wait3A_141 : memref<1x40x128xi32, #tpu.memory_space<hbm>> -> memref<40x128xi32, #tpu.memory_space<hbm>>
      %dma_wait3A_143 = arith.constant 0 : i32
      %dma_wait3A_144 = arith.constant 0 : i32
      %dma_wait3A_145 = tpu.memref_slice %arg3[%add3A, %dma_wait3A_143, %dma_wait3A_144] : memref<32x80x128xi32, #tpu.memory_space<hbm>> -> memref<1x40x128xi32, #tpu.memory_space<hbm>>
      %dma_wait3A_146 = tpu.memref_squeeze %dma_wait3A_145 : memref<1x40x128xi32, #tpu.memory_space<hbm>> -> memref<40x128xi32, #tpu.memory_space<hbm>>
      tpu.wait_dma2 semaphore(%run_scoped3A : memref<!tpu.dma_semaphore, #tpu.memory_space<semaphore_mem>>) src(%dma_wait3A_146 : memref<40x128xi32, #tpu.memory_space<hbm>>) dst(%arg8 : memref<40x128xi32, #tpu.memory_space<vmem>>)
      tpu.yield
    }) : () -> ()
    %dma_start3A = arith.constant 0 : i32
    %dma_start3A_5 = arith.constant 0 : i32
    %dma_start3A_6 = tpu.memref_slice %arg7[%dma_start3A, %dma_start3A_5] : memref<40x128xi32, #tpu.memory_space<vmem>> -> memref<1x128xi32, #tpu.memory_space<vmem>>
    %dma_start3A_7 = tpu.memref_squeeze %dma_start3A_6 : memref<1x128xi32, #tpu.memory_space<vmem>> -> memref<128xi32, #tpu.memory_space<vmem>>
    %dma_start3A_8 = arith.constant 0 : i32
    %dma_start3A_9 = arith.constant 0 : i32
    %dma_start3A_10 = tpu.memref_slice %arg4[%dma_start3A_8, %dma_start3A_9] : memref<10240x128xf32, #tpu.memory_space<hbm>> -> memref<10240x128xf32, #tpu.memory_space<hbm>>
    tpu.enqueue_indirect_dma source(%dma_start3A_10 : memref<10240x128xf32, #tpu.memory_space<hbm>>) target(%arg9 : memref<128x128xf32, #tpu.memory_space<vmem>>) offsets(%dma_start3A_7 : memref<128xi32, #tpu.memory_space<vmem>>) semaphore(%arg12 : memref<!tpu.dma_semaphore, #tpu.memory_space<semaphore_mem>>)
    %dma_start3A_11 = arith.constant 1 : i32
    %dma_start3A_12 = arith.constant 0 : i32
    %dma_start3A_13 = tpu.memref_slice %arg7[%dma_start3A_11, %dma_start3A_12] : memref<40x128xi32, #tpu.memory_space<vmem>> -> memref<1x128xi32, #tpu.memory_space<vmem>>
    %dma_start3A_14 = tpu.memref_squeeze %dma_start3A_13 : memref<1x128xi32, #tpu.memory_space<vmem>> -> memref<128xi32, #tpu.memory_space<vmem>>
    %dma_start3A_15 = arith.constant 0 : i32
    %dma_start3A_16 = arith.constant 0 : i32
    %dma_start3A_17 = tpu.memref_slice %arg4[%dma_start3A_15, %dma_start3A_16] : memref<10240x128xf32, #tpu.memory_space<hbm>> -> memref<10240x128xf32, #tpu.memory_space<hbm>>
    tpu.enqueue_indirect_dma source(%dma_start3A_17 : memref<10240x128xf32, #tpu.memory_space<hbm>>) target(%arg10 : memref<128x128xf32, #tpu.memory_space<vmem>>) offsets(%dma_start3A_14 : memref<128xi32, #tpu.memory_space<vmem>>) semaphore(%arg13 : memref<!tpu.dma_semaphore, #tpu.memory_space<semaphore_mem>>)
    %scan3A = arith.constant 0 : i32
    %scan3A_18 = arith.constant 0 : i32
    %scan3A_19 = arith.constant 19 : i32
    %scan3A_20 = arith.addi %scan3A_18, %scan3A_19 : i32
    %scan3A_21 = arith.constant 1 : i32
    scf.for %scan3A_131 = %scan3A_18 to %scan3A_20 step %scan3A_21  : i32 {
      %mul3A_132 = arith.constant 2 : i32
      %mul3A_133 = arith.muli %mul3A_132, %scan3A_131 : i32
      %dma_wait3A_134 = arith.constant 0 : i32
      %dma_wait3A_135 = tpu.memref_slice %arg7[%mul3A_133, %dma_wait3A_134] : memref<40x128xi32, #tpu.memory_space<vmem>> -> memref<1x128xi32, #tpu.memory_space<vmem>>
      %dma_wait3A_136 = tpu.memref_squeeze %dma_wait3A_135 : memref<1x128xi32, #tpu.memory_space<vmem>> -> memref<128xi32, #tpu.memory_space<vmem>>
      %dma_wait3A_137 = arith.constant 0 : i32
      %dma_wait3A_138 = arith.constant 0 : i32
      %dma_wait3A_139 = tpu.memref_slice %arg4[%dma_wait3A_137, %dma_wait3A_138] : memref<10240x128xf32, #tpu.memory_space<hbm>> -> memref<10240x128xf32, #tpu.memory_space<hbm>>
      tpu.wait_indirect_dma semaphore(%arg12 : memref<!tpu.dma_semaphore, #tpu.memory_space<semaphore_mem>>) src(%dma_wait3A_139 : memref<10240x128xf32, #tpu.memory_space<hbm>>) dst(%arg9 : memref<128x128xf32, #tpu.memory_space<vmem>>)
      %dma_start3A_140 = arith.constant 0 : i32
      %dma_start3A_141 = tpu.memref_slice %arg8[%mul3A_133, %dma_start3A_140] : memref<40x128xi32, #tpu.memory_space<vmem>> -> memref<1x128xi32, #tpu.memory_space<vmem>>
      %dma_start3A_142 = tpu.memref_squeeze %dma_start3A_141 : memref<1x128xi32, #tpu.memory_space<vmem>> -> memref<128xi32, #tpu.memory_space<vmem>>
      %dma_start3A_143 = arith.constant 0 : i32
      %dma_start3A_144 = arith.constant 0 : i32
      %dma_start3A_145 = tpu.memref_slice %arg11[%dma_start3A_143, %dma_start3A_144] : memref<10240x128xf32, #tpu.memory_space<vmem_shared>> -> memref<10240x128xf32, #tpu.memory_space<vmem_shared>>
      tpu.enqueue_indirect_dma source(%arg9 : memref<128x128xf32, #tpu.memory_space<vmem>>) target(%dma_start3A_145 : memref<10240x128xf32, #tpu.memory_space<vmem_shared>>) offsets(%dma_start3A_142 : memref<128xi32, #tpu.memory_space<vmem>>) semaphore(%arg14 : memref<!tpu.dma_semaphore, #tpu.memory_space<semaphore_mem>>) {add = true}
      %add3A_146 = arith.constant 1 : i32
      %add3A_147 = arith.addi %mul3A_133, %add3A_146 : i32
      %dma_wait3A_148 = arith.constant 0 : i32
      %dma_wait3A_149 = tpu.memref_slice %arg7[%add3A_147, %dma_wait3A_148] : memref<40x128xi32, #tpu.memory_space<vmem>> -> memref<1x128xi32, #tpu.memory_space<vmem>>
      %dma_wait3A_150 = tpu.memref_squeeze %dma_wait3A_149 : memref<1x128xi32, #tpu.memory_space<vmem>> -> memref<128xi32, #tpu.memory_space<vmem>>
      %dma_wait3A_151 = arith.constant 0 : i32
      %dma_wait3A_152 = arith.constant 0 : i32
      %dma_wait3A_153 = tpu.memref_slice %arg4[%dma_wait3A_151, %dma_wait3A_152] : memref<10240x128xf32, #tpu.memory_space<hbm>> -> memref<10240x128xf32, #tpu.memory_space<hbm>>
      tpu.wait_indirect_dma semaphore(%arg13 : memref<!tpu.dma_semaphore, #tpu.memory_space<semaphore_mem>>) src(%dma_wait3A_153 : memref<10240x128xf32, #tpu.memory_space<hbm>>) dst(%arg10 : memref<128x128xf32, #tpu.memory_space<vmem>>)
      %add3A_154 = arith.constant 1 : i32
      %add3A_155 = arith.addi %mul3A_133, %add3A_154 : i32
      %dma_start3A_156 = arith.constant 0 : i32
      %dma_start3A_157 = tpu.memref_slice %arg8[%add3A_155, %dma_start3A_156] : memref<40x128xi32, #tpu.memory_space<vmem>> -> memref<1x128xi32, #tpu.memory_space<vmem>>
      %dma_start3A_158 = tpu.memref_squeeze %dma_start3A_157 : memref<1x128xi32, #tpu.memory_space<vmem>> -> memref<128xi32, #tpu.memory_space<vmem>>
      %dma_start3A_159 = arith.constant 0 : i32
      %dma_start3A_160 = arith.constant 0 : i32
      %dma_start3A_161 = tpu.memref_slice %arg11[%dma_start3A_159, %dma_start3A_160] : memref<10240x128xf32, #tpu.memory_space<vmem_shared>> -> memref<10240x128xf32, #tpu.memory_space<vmem_shared>>
      tpu.enqueue_indirect_dma source(%arg10 : memref<128x128xf32, #tpu.memory_space<vmem>>) target(%dma_start3A_161 : memref<10240x128xf32, #tpu.memory_space<vmem_shared>>) offsets(%dma_start3A_158 : memref<128xi32, #tpu.memory_space<vmem>>) semaphore(%arg15 : memref<!tpu.dma_semaphore, #tpu.memory_space<semaphore_mem>>) {add = true}
      %dma_wait3A_162 = arith.constant 0 : i32
      %dma_wait3A_163 = tpu.memref_slice %arg8[%mul3A_133, %dma_wait3A_162] : memref<40x128xi32, #tpu.memory_space<vmem>> -> memref<1x128xi32, #tpu.memory_space<vmem>>
      %dma_wait3A_164 = tpu.memref_squeeze %dma_wait3A_163 : memref<1x128xi32, #tpu.memory_space<vmem>> -> memref<128xi32, #tpu.memory_space<vmem>>
      %dma_wait3A_165 = arith.constant 0 : i32
      %dma_wait3A_166 = arith.constant 0 : i32
      %dma_wait3A_167 = tpu.memref_slice %arg11[%dma_wait3A_165, %dma_wait3A_166] : memref<10240x128xf32, #tpu.memory_space<vmem_shared>> -> memref<10240x128xf32, #tpu.memory_space<vmem_shared>>
      tpu.wait_indirect_dma semaphore(%arg14 : memref<!tpu.dma_semaphore, #tpu.memory_space<semaphore_mem>>) src(%arg9 : memref<128x128xf32, #tpu.memory_space<vmem>>) dst(%dma_wait3A_167 : memref<10240x128xf32, #tpu.memory_space<vmem_shared>>)
      %add3A_168 = arith.constant 2 : i32
      %add3A_169 = arith.addi %mul3A_133, %add3A_168 : i32
      %dma_start3A_170 = arith.constant 0 : i32
      %dma_start3A_171 = tpu.memref_slice %arg7[%add3A_169, %dma_start3A_170] : memref<40x128xi32, #tpu.memory_space<vmem>> -> memref<1x128xi32, #tpu.memory_space<vmem>>
      %dma_start3A_172 = tpu.memref_squeeze %dma_start3A_171 : memref<1x128xi32, #tpu.memory_space<vmem>> -> memref<128xi32, #tpu.memory_space<vmem>>
      %dma_start3A_173 = arith.constant 0 : i32
      %dma_start3A_174 = arith.constant 0 : i32
      %dma_start3A_175 = tpu.memref_slice %arg4[%dma_start3A_173, %dma_start3A_174] : memref<10240x128xf32, #tpu.memory_space<hbm>> -> memref<10240x128xf32, #tpu.memory_space<hbm>>
      tpu.enqueue_indirect_dma source(%dma_start3A_175 : memref<10240x128xf32, #tpu.memory_space<hbm>>) target(%arg9 : memref<128x128xf32, #tpu.memory_space<vmem>>) offsets(%dma_start3A_172 : memref<128xi32, #tpu.memory_space<vmem>>) semaphore(%arg12 : memref<!tpu.dma_semaphore, #tpu.memory_space<semaphore_mem>>)
      %add3A_176 = arith.constant 1 : i32
      %add3A_177 = arith.addi %mul3A_133, %add3A_176 : i32
      %dma_wait3A_178 = arith.constant 0 : i32
      %dma_wait3A_179 = tpu.memref_slice %arg8[%add3A_177, %dma_wait3A_178] : memref<40x128xi32, #tpu.memory_space<vmem>> -> memref<1x128xi32, #tpu.memory_space<vmem>>
      %dma_wait3A_180 = tpu.memref_squeeze %dma_wait3A_179 : memref<1x128xi32, #tpu.memory_space<vmem>> -> memref<128xi32, #tpu.memory_space<vmem>>
      %dma_wait3A_181 = arith.constant 0 : i32
      %dma_wait3A_182 = arith.constant 0 : i32
      %dma_wait3A_183 = tpu.memref_slice %arg11[%dma_wait3A_181, %dma_wait3A_182] : memref<10240x128xf32, #tpu.memory_space<vmem_shared>> -> memref<10240x128xf32, #tpu.memory_space<vmem_shared>>
      tpu.wait_indirect_dma semaphore(%arg15 : memref<!tpu.dma_semaphore, #tpu.memory_space<semaphore_mem>>) src(%arg10 : memref<128x128xf32, #tpu.memory_space<vmem>>) dst(%dma_wait3A_183 : memref<10240x128xf32, #tpu.memory_space<vmem_shared>>)
      %add3A_184 = arith.constant 3 : i32
      %add3A_185 = arith.addi %mul3A_133, %add3A_184 : i32
      %dma_start3A_186 = arith.constant 0 : i32
      %dma_start3A_187 = tpu.memref_slice %arg7[%add3A_185, %dma_start3A_186] : memref<40x128xi32, #tpu.memory_space<vmem>> -> memref<1x128xi32, #tpu.memory_space<vmem>>
      %dma_start3A_188 = tpu.memref_squeeze %dma_start3A_187 : memref<1x128xi32, #tpu.memory_space<vmem>> -> memref<128xi32, #tpu.memory_space<vmem>>
      %dma_start3A_189 = arith.constant 0 : i32
      %dma_start3A_190 = arith.constant 0 : i32
      %dma_start3A_191 = tpu.memref_slice %arg4[%dma_start3A_189, %dma_start3A_190] : memref<10240x128xf32, #tpu.memory_space<hbm>> -> memref<10240x128xf32, #tpu.memory_space<hbm>>
      tpu.enqueue_indirect_dma source(%dma_start3A_191 : memref<10240x128xf32, #tpu.memory_space<hbm>>) target(%arg10 : memref<128x128xf32, #tpu.memory_space<vmem>>) offsets(%dma_start3A_188 : memref<128xi32, #tpu.memory_space<vmem>>) semaphore(%arg13 : memref<!tpu.dma_semaphore, #tpu.memory_space<semaphore_mem>>)
    }
    %scan3A_22 = arith.constant 19 : i32
    %dma_wait3A = arith.constant 38 : i32
    %dma_wait3A_23 = arith.constant 0 : i32
    %dma_wait3A_24 = tpu.memref_slice %arg7[%dma_wait3A, %dma_wait3A_23] : memref<40x128xi32, #tpu.memory_space<vmem>> -> memref<1x128xi32, #tpu.memory_space<vmem>>
    %dma_wait3A_25 = tpu.memref_squeeze %dma_wait3A_24 : memref<1x128xi32, #tpu.memory_space<vmem>> -> memref<128xi32, #tpu.memory_space<vmem>>
    %dma_wait3A_26 = arith.constant 0 : i32
    %dma_wait3A_27 = arith.constant 0 : i32
    %dma_wait3A_28 = tpu.memref_slice %arg4[%dma_wait3A_26, %dma_wait3A_27] : memref<10240x128xf32, #tpu.memory_space<hbm>> -> memref<10240x128xf32, #tpu.memory_space<hbm>>
    tpu.wait_indirect_dma semaphore(%arg12 : memref<!tpu.dma_semaphore, #tpu.memory_space<semaphore_mem>>) src(%dma_wait3A_28 : memref<10240x128xf32, #tpu.memory_space<hbm>>) dst(%arg9 : memref<128x128xf32, #tpu.memory_space<vmem>>)
    %dma_start3A_29 = arith.constant 38 : i32
    %dma_start3A_30 = arith.constant 0 : i32
    %dma_start3A_31 = tpu.memref_slice %arg8[%dma_start3A_29, %dma_start3A_30] : memref<40x128xi32, #tpu.memory_space<vmem>> -> memref<1x128xi32, #tpu.memory_space<vmem>>
    %dma_start3A_32 = tpu.memref_squeeze %dma_start3A_31 : memref<1x128xi32, #tpu.memory_space<vmem>> -> memref<128xi32, #tpu.memory_space<vmem>>
    %dma_start3A_33 = arith.constant 0 : i32
    %dma_start3A_34 = arith.constant 0 : i32
    %dma_start3A_35 = tpu.memref_slice %arg11[%dma_start3A_33, %dma_start3A_34] : memref<10240x128xf32, #tpu.memory_space<vmem_shared>> -> memref<10240x128xf32, #tpu.memory_space<vmem_shared>>
    tpu.enqueue_indirect_dma source(%arg9 : memref<128x128xf32, #tpu.memory_space<vmem>>) target(%dma_start3A_35 : memref<10240x128xf32, #tpu.memory_space<vmem_shared>>) offsets(%dma_start3A_32 : memref<128xi32, #tpu.memory_space<vmem>>) semaphore(%arg14 : memref<!tpu.dma_semaphore, #tpu.memory_space<semaphore_mem>>) {add = true}
    %dma_wait3A_36 = arith.constant 39 : i32
    %dma_wait3A_37 = arith.constant 0 : i32
    %dma_wait3A_38 = tpu.memref_slice %arg7[%dma_wait3A_36, %dma_wait3A_37] : memref<40x128xi32, #tpu.memory_space<vmem>> -> memref<1x128xi32, #tpu.memory_space<vmem>>
    %dma_wait3A_39 = tpu.memref_squeeze %dma_wait3A_38 : memref<1x128xi32, #tpu.memory_space<vmem>> -> memref<128xi32, #tpu.memory_space<vmem>>
    %dma_wait3A_40 = arith.constant 0 : i32
    %dma_wait3A_41 = arith.constant 0 : i32
    %dma_wait3A_42 = tpu.memref_slice %arg4[%dma_wait3A_40, %dma_wait3A_41] : memref<10240x128xf32, #tpu.memory_space<hbm>> -> memref<10240x128xf32, #tpu.memory_space<hbm>>
    tpu.wait_indirect_dma semaphore(%arg13 : memref<!tpu.dma_semaphore, #tpu.memory_space<semaphore_mem>>) src(%dma_wait3A_42 : memref<10240x128xf32, #tpu.memory_space<hbm>>) dst(%arg10 : memref<128x128xf32, #tpu.memory_space<vmem>>)
    %dma_start3A_43 = arith.constant 39 : i32
    %dma_start3A_44 = arith.constant 0 : i32
    %dma_start3A_45 = tpu.memref_slice %arg8[%dma_start3A_43, %dma_start3A_44] : memref<40x128xi32, #tpu.memory_space<vmem>> -> memref<1x128xi32, #tpu.memory_space<vmem>>
    %dma_start3A_46 = tpu.memref_squeeze %dma_start3A_45 : memref<1x128xi32, #tpu.memory_space<vmem>> -> memref<128xi32, #tpu.memory_space<vmem>>
    %dma_start3A_47 = arith.constant 0 : i32
    %dma_start3A_48 = arith.constant 0 : i32
    %dma_start3A_49 = tpu.memref_slice %arg11[%dma_start3A_47, %dma_start3A_48] : memref<10240x128xf32, #tpu.memory_space<vmem_shared>> -> memref<10240x128xf32, #tpu.memory_space<vmem_shared>>
    tpu.enqueue_indirect_dma source(%arg10 : memref<128x128xf32, #tpu.memory_space<vmem>>) target(%dma_start3A_49 : memref<10240x128xf32, #tpu.memory_space<vmem_shared>>) offsets(%dma_start3A_46 : memref<128xi32, #tpu.memory_space<vmem>>) semaphore(%arg15 : memref<!tpu.dma_semaphore, #tpu.memory_space<semaphore_mem>>) {add = true}
    %dma_wait3A_50 = arith.constant 38 : i32
    %dma_wait3A_51 = arith.constant 0 : i32
    %dma_wait3A_52 = tpu.memref_slice %arg8[%dma_wait3A_50, %dma_wait3A_51] : memref<40x128xi32, #tpu.memory_space<vmem>> -> memref<1x128xi32, #tpu.memory_space<vmem>>
    %dma_wait3A_53 = tpu.memref_squeeze %dma_wait3A_52 : memref<1x128xi32, #tpu.memory_space<vmem>> -> memref<128xi32, #tpu.memory_space<vmem>>
    %dma_wait3A_54 = arith.constant 0 : i32
    %dma_wait3A_55 = arith.constant 0 : i32
    %dma_wait3A_56 = tpu.memref_slice %arg11[%dma_wait3A_54, %dma_wait3A_55] : memref<10240x128xf32, #tpu.memory_space<vmem_shared>> -> memref<10240x128xf32, #tpu.memory_space<vmem_shared>>
    tpu.wait_indirect_dma semaphore(%arg14 : memref<!tpu.dma_semaphore, #tpu.memory_space<semaphore_mem>>) src(%arg9 : memref<128x128xf32, #tpu.memory_space<vmem>>) dst(%dma_wait3A_56 : memref<10240x128xf32, #tpu.memory_space<vmem_shared>>)
    %dma_wait3A_57 = arith.constant 39 : i32
    %dma_wait3A_58 = arith.constant 0 : i32
    %dma_wait3A_59 = tpu.memref_slice %arg8[%dma_wait3A_57, %dma_wait3A_58] : memref<40x128xi32, #tpu.memory_space<vmem>> -> memref<1x128xi32, #tpu.memory_space<vmem>>
    %dma_wait3A_60 = tpu.memref_squeeze %dma_wait3A_59 : memref<1x128xi32, #tpu.memory_space<vmem>> -> memref<128xi32, #tpu.memory_space<vmem>>
    %dma_wait3A_61 = arith.constant 0 : i32
    %dma_wait3A_62 = arith.constant 0 : i32
    %dma_wait3A_63 = tpu.memref_slice %arg11[%dma_wait3A_61, %dma_wait3A_62] : memref<10240x128xf32, #tpu.memory_space<vmem_shared>> -> memref<10240x128xf32, #tpu.memory_space<vmem_shared>>
    tpu.wait_indirect_dma semaphore(%arg15 : memref<!tpu.dma_semaphore, #tpu.memory_space<semaphore_mem>>) src(%arg10 : memref<128x128xf32, #tpu.memory_space<vmem>>) dst(%dma_wait3A_63 : memref<10240x128xf32, #tpu.memory_space<vmem_shared>>)
    "tpu.region"() ({
      %run_scoped3A = tpu.sem_alloc : memref<!tpu.dma_semaphore, #tpu.memory_space<semaphore_mem>>
      %dma_start3A_131 = arith.constant 40 : i32
      %dma_start3A_132 = arith.constant 0 : i32
      %dma_start3A_133 = tpu.memref_slice %arg2[%add3A, %dma_start3A_131, %dma_start3A_132] : memref<32x80x128xi32, #tpu.memory_space<hbm>> -> memref<1x40x128xi32, #tpu.memory_space<hbm>>
      %dma_start3A_134 = tpu.memref_squeeze %dma_start3A_133 : memref<1x40x128xi32, #tpu.memory_space<hbm>> -> memref<40x128xi32, #tpu.memory_space<hbm>>
      %dma_start3A_135 = arith.constant 40 : i32
      %dma_start3A_136 = arith.constant 0 : i32
      %dma_start3A_137 = tpu.memref_slice %arg2[%add3A, %dma_start3A_135, %dma_start3A_136] : memref<32x80x128xi32, #tpu.memory_space<hbm>> -> memref<1x40x128xi32, #tpu.memory_space<hbm>>
      %dma_start3A_138 = tpu.memref_squeeze %dma_start3A_137 : memref<1x40x128xi32, #tpu.memory_space<hbm>> -> memref<40x128xi32, #tpu.memory_space<hbm>>
      tpu.enqueue_dma source(%dma_start3A_138 : memref<40x128xi32, #tpu.memory_space<hbm>>) target(%arg7 : memref<40x128xi32, #tpu.memory_space<vmem>>) target_semaphore(%run_scoped3A : memref<!tpu.dma_semaphore, #tpu.memory_space<semaphore_mem>>)
      %dma_wait3A_139 = arith.constant 40 : i32
      %dma_wait3A_140 = arith.constant 0 : i32
      %dma_wait3A_141 = tpu.memref_slice %arg2[%add3A, %dma_wait3A_139, %dma_wait3A_140] : memref<32x80x128xi32, #tpu.memory_space<hbm>> -> memref<1x40x128xi32, #tpu.memory_space<hbm>>
      %dma_wait3A_142 = tpu.memref_squeeze %dma_wait3A_141 : memref<1x40x128xi32, #tpu.memory_space<hbm>> -> memref<40x128xi32, #tpu.memory_space<hbm>>
      %dma_wait3A_143 = arith.constant 40 : i32
      %dma_wait3A_144 = arith.constant 0 : i32
      %dma_wait3A_145 = tpu.memref_slice %arg2[%add3A, %dma_wait3A_143, %dma_wait3A_144] : memref<32x80x128xi32, #tpu.memory_space<hbm>> -> memref<1x40x128xi32, #tpu.memory_space<hbm>>
      %dma_wait3A_146 = tpu.memref_squeeze %dma_wait3A_145 : memref<1x40x128xi32, #tpu.memory_space<hbm>> -> memref<40x128xi32, #tpu.memory_space<hbm>>
      tpu.wait_dma2 semaphore(%run_scoped3A : memref<!tpu.dma_semaphore, #tpu.memory_space<semaphore_mem>>) src(%dma_wait3A_146 : memref<40x128xi32, #tpu.memory_space<hbm>>) dst(%arg7 : memref<40x128xi32, #tpu.memory_space<vmem>>)
      tpu.yield
    }) : () -> ()
    "tpu.region"() ({
      %run_scoped3A = tpu.sem_alloc : memref<!tpu.dma_semaphore, #tpu.memory_space<semaphore_mem>>
      %dma_start3A_131 = arith.constant 40 : i32
      %dma_start3A_132 = arith.constant 0 : i32
      %dma_start3A_133 = tpu.memref_slice %arg3[%add3A, %dma_start3A_131, %dma_start3A_132] : memref<32x80x128xi32, #tpu.memory_space<hbm>> -> memref<1x40x128xi32, #tpu.memory_space<hbm>>
      %dma_start3A_134 = tpu.memref_squeeze %dma_start3A_133 : memref<1x40x128xi32, #tpu.memory_space<hbm>> -> memref<40x128xi32, #tpu.memory_space<hbm>>
      %dma_start3A_135 = arith.constant 40 : i32
      %dma_start3A_136 = arith.constant 0 : i32
      %dma_start3A_137 = tpu.memref_slice %arg3[%add3A, %dma_start3A_135, %dma_start3A_136] : memref<32x80x128xi32, #tpu.memory_space<hbm>> -> memref<1x40x128xi32, #tpu.memory_space<hbm>>
      %dma_start3A_138 = tpu.memref_squeeze %dma_start3A_137 : memref<1x40x128xi32, #tpu.memory_space<hbm>> -> memref<40x128xi32, #tpu.memory_space<hbm>>
      tpu.enqueue_dma source(%dma_start3A_138 : memref<40x128xi32, #tpu.memory_space<hbm>>) target(%arg8 : memref<40x128xi32, #tpu.memory_space<vmem>>) target_semaphore(%run_scoped3A : memref<!tpu.dma_semaphore, #tpu.memory_space<semaphore_mem>>)
      %dma_wait3A_139 = arith.constant 40 : i32
      %dma_wait3A_140 = arith.constant 0 : i32
      %dma_wait3A_141 = tpu.memref_slice %arg3[%add3A, %dma_wait3A_139, %dma_wait3A_140] : memref<32x80x128xi32, #tpu.memory_space<hbm>> -> memref<1x40x128xi32, #tpu.memory_space<hbm>>
      %dma_wait3A_142 = tpu.memref_squeeze %dma_wait3A_141 : memref<1x40x128xi32, #tpu.memory_space<hbm>> -> memref<40x128xi32, #tpu.memory_space<hbm>>
      %dma_wait3A_143 = arith.constant 40 : i32
      %dma_wait3A_144 = arith.constant 0 : i32
      %dma_wait3A_145 = tpu.memref_slice %arg3[%add3A, %dma_wait3A_143, %dma_wait3A_144] : memref<32x80x128xi32, #tpu.memory_space<hbm>> -> memref<1x40x128xi32, #tpu.memory_space<hbm>>
      %dma_wait3A_146 = tpu.memref_squeeze %dma_wait3A_145 : memref<1x40x128xi32, #tpu.memory_space<hbm>> -> memref<40x128xi32, #tpu.memory_space<hbm>>
      tpu.wait_dma2 semaphore(%run_scoped3A : memref<!tpu.dma_semaphore, #tpu.memory_space<semaphore_mem>>) src(%dma_wait3A_146 : memref<40x128xi32, #tpu.memory_space<hbm>>) dst(%arg8 : memref<40x128xi32, #tpu.memory_space<vmem>>)
      tpu.yield
    }) : () -> ()
    %dma_start3A_64 = arith.constant 0 : i32
    %dma_start3A_65 = arith.constant 0 : i32
    %dma_start3A_66 = tpu.memref_slice %arg7[%dma_start3A_64, %dma_start3A_65] : memref<40x128xi32, #tpu.memory_space<vmem>> -> memref<1x128xi32, #tpu.memory_space<vmem>>
    %dma_start3A_67 = tpu.memref_squeeze %dma_start3A_66 : memref<1x128xi32, #tpu.memory_space<vmem>> -> memref<128xi32, #tpu.memory_space<vmem>>
    %dma_start3A_68 = arith.constant 0 : i32
    %dma_start3A_69 = arith.constant 0 : i32
    %dma_start3A_70 = tpu.memref_slice %arg4[%dma_start3A_68, %dma_start3A_69] : memref<10240x128xf32, #tpu.memory_space<hbm>> -> memref<10240x128xf32, #tpu.memory_space<hbm>>
    tpu.enqueue_indirect_dma source(%dma_start3A_70 : memref<10240x128xf32, #tpu.memory_space<hbm>>) target(%arg9 : memref<128x128xf32, #tpu.memory_space<vmem>>) offsets(%dma_start3A_67 : memref<128xi32, #tpu.memory_space<vmem>>) semaphore(%arg12 : memref<!tpu.dma_semaphore, #tpu.memory_space<semaphore_mem>>)
    %dma_start3A_71 = arith.constant 1 : i32
    %dma_start3A_72 = arith.constant 0 : i32
    %dma_start3A_73 = tpu.memref_slice %arg7[%dma_start3A_71, %dma_start3A_72] : memref<40x128xi32, #tpu.memory_space<vmem>> -> memref<1x128xi32, #tpu.memory_space<vmem>>
    %dma_start3A_74 = tpu.memref_squeeze %dma_start3A_73 : memref<1x128xi32, #tpu.memory_space<vmem>> -> memref<128xi32, #tpu.memory_space<vmem>>
    %dma_start3A_75 = arith.constant 0 : i32
    %dma_start3A_76 = arith.constant 0 : i32
    %dma_start3A_77 = tpu.memref_slice %arg4[%dma_start3A_75, %dma_start3A_76] : memref<10240x128xf32, #tpu.memory_space<hbm>> -> memref<10240x128xf32, #tpu.memory_space<hbm>>
    tpu.enqueue_indirect_dma source(%dma_start3A_77 : memref<10240x128xf32, #tpu.memory_space<hbm>>) target(%arg10 : memref<128x128xf32, #tpu.memory_space<vmem>>) offsets(%dma_start3A_74 : memref<128xi32, #tpu.memory_space<vmem>>) semaphore(%arg13 : memref<!tpu.dma_semaphore, #tpu.memory_space<semaphore_mem>>)
    %scan3A_78 = arith.constant 0 : i32
    %scan3A_79 = arith.constant 0 : i32
    %scan3A_80 = arith.constant 19 : i32
    %scan3A_81 = arith.addi %scan3A_79, %scan3A_80 : i32
    %scan3A_82 = arith.constant 1 : i32
    scf.for %scan3A_131 = %scan3A_79 to %scan3A_81 step %scan3A_82  : i32 {
      %mul3A_132 = arith.constant 2 : i32
      %mul3A_133 = arith.muli %mul3A_132, %scan3A_131 : i32
      %dma_wait3A_134 = arith.constant 0 : i32
      %dma_wait3A_135 = tpu.memref_slice %arg7[%mul3A_133, %dma_wait3A_134] : memref<40x128xi32, #tpu.memory_space<vmem>> -> memref<1x128xi32, #tpu.memory_space<vmem>>
      %dma_wait3A_136 = tpu.memref_squeeze %dma_wait3A_135 : memref<1x128xi32, #tpu.memory_space<vmem>> -> memref<128xi32, #tpu.memory_space<vmem>>
      %dma_wait3A_137 = arith.constant 0 : i32
      %dma_wait3A_138 = arith.constant 0 : i32
      %dma_wait3A_139 = tpu.memref_slice %arg4[%dma_wait3A_137, %dma_wait3A_138] : memref<10240x128xf32, #tpu.memory_space<hbm>> -> memref<10240x128xf32, #tpu.memory_space<hbm>>
      tpu.wait_indirect_dma semaphore(%arg12 : memref<!tpu.dma_semaphore, #tpu.memory_space<semaphore_mem>>) src(%dma_wait3A_139 : memref<10240x128xf32, #tpu.memory_space<hbm>>) dst(%arg9 : memref<128x128xf32, #tpu.memory_space<vmem>>)
      %dma_start3A_140 = arith.constant 0 : i32
      %dma_start3A_141 = tpu.memref_slice %arg8[%mul3A_133, %dma_start3A_140] : memref<40x128xi32, #tpu.memory_space<vmem>> -> memref<1x128xi32, #tpu.memory_space<vmem>>
      %dma_start3A_142 = tpu.memref_squeeze %dma_start3A_141 : memref<1x128xi32, #tpu.memory_space<vmem>> -> memref<128xi32, #tpu.memory_space<vmem>>
      %dma_start3A_143 = arith.constant 0 : i32
      %dma_start3A_144 = arith.constant 0 : i32
      %dma_start3A_145 = tpu.memref_slice %arg11[%dma_start3A_143, %dma_start3A_144] : memref<10240x128xf32, #tpu.memory_space<vmem_shared>> -> memref<10240x128xf32, #tpu.memory_space<vmem_shared>>
      tpu.enqueue_indirect_dma source(%arg9 : memref<128x128xf32, #tpu.memory_space<vmem>>) target(%dma_start3A_145 : memref<10240x128xf32, #tpu.memory_space<vmem_shared>>) offsets(%dma_start3A_142 : memref<128xi32, #tpu.memory_space<vmem>>) semaphore(%arg14 : memref<!tpu.dma_semaphore, #tpu.memory_space<semaphore_mem>>) {add = true}
      %add3A_146 = arith.constant 1 : i32
      %add3A_147 = arith.addi %mul3A_133, %add3A_146 : i32
      %dma_wait3A_148 = arith.constant 0 : i32
      %dma_wait3A_149 = tpu.memref_slice %arg7[%add3A_147, %dma_wait3A_148] : memref<40x128xi32, #tpu.memory_space<vmem>> -> memref<1x128xi32, #tpu.memory_space<vmem>>
      %dma_wait3A_150 = tpu.memref_squeeze %dma_wait3A_149 : memref<1x128xi32, #tpu.memory_space<vmem>> -> memref<128xi32, #tpu.memory_space<vmem>>
      %dma_wait3A_151 = arith.constant 0 : i32
      %dma_wait3A_152 = arith.constant 0 : i32
      %dma_wait3A_153 = tpu.memref_slice %arg4[%dma_wait3A_151, %dma_wait3A_152] : memref<10240x128xf32, #tpu.memory_space<hbm>> -> memref<10240x128xf32, #tpu.memory_space<hbm>>
      tpu.wait_indirect_dma semaphore(%arg13 : memref<!tpu.dma_semaphore, #tpu.memory_space<semaphore_mem>>) src(%dma_wait3A_153 : memref<10240x128xf32, #tpu.memory_space<hbm>>) dst(%arg10 : memref<128x128xf32, #tpu.memory_space<vmem>>)
      %add3A_154 = arith.constant 1 : i32
      %add3A_155 = arith.addi %mul3A_133, %add3A_154 : i32
      %dma_start3A_156 = arith.constant 0 : i32
      %dma_start3A_157 = tpu.memref_slice %arg8[%add3A_155, %dma_start3A_156] : memref<40x128xi32, #tpu.memory_space<vmem>> -> memref<1x128xi32, #tpu.memory_space<vmem>>
      %dma_start3A_158 = tpu.memref_squeeze %dma_start3A_157 : memref<1x128xi32, #tpu.memory_space<vmem>> -> memref<128xi32, #tpu.memory_space<vmem>>
      %dma_start3A_159 = arith.constant 0 : i32
      %dma_start3A_160 = arith.constant 0 : i32
      %dma_start3A_161 = tpu.memref_slice %arg11[%dma_start3A_159, %dma_start3A_160] : memref<10240x128xf32, #tpu.memory_space<vmem_shared>> -> memref<10240x128xf32, #tpu.memory_space<vmem_shared>>
      tpu.enqueue_indirect_dma source(%arg10 : memref<128x128xf32, #tpu.memory_space<vmem>>) target(%dma_start3A_161 : memref<10240x128xf32, #tpu.memory_space<vmem_shared>>) offsets(%dma_start3A_158 : memref<128xi32, #tpu.memory_space<vmem>>) semaphore(%arg15 : memref<!tpu.dma_semaphore, #tpu.memory_space<semaphore_mem>>) {add = true}
      %dma_wait3A_162 = arith.constant 0 : i32
      %dma_wait3A_163 = tpu.memref_slice %arg8[%mul3A_133, %dma_wait3A_162] : memref<40x128xi32, #tpu.memory_space<vmem>> -> memref<1x128xi32, #tpu.memory_space<vmem>>
      %dma_wait3A_164 = tpu.memref_squeeze %dma_wait3A_163 : memref<1x128xi32, #tpu.memory_space<vmem>> -> memref<128xi32, #tpu.memory_space<vmem>>
      %dma_wait3A_165 = arith.constant 0 : i32
      %dma_wait3A_166 = arith.constant 0 : i32
      %dma_wait3A_167 = tpu.memref_slice %arg11[%dma_wait3A_165, %dma_wait3A_166] : memref<10240x128xf32, #tpu.memory_space<vmem_shared>> -> memref<10240x128xf32, #tpu.memory_space<vmem_shared>>
      tpu.wait_indirect_dma semaphore(%arg14 : memref<!tpu.dma_semaphore, #tpu.memory_space<semaphore_mem>>) src(%arg9 : memref<128x128xf32, #tpu.memory_space<vmem>>) dst(%dma_wait3A_167 : memref<10240x128xf32, #tpu.memory_space<vmem_shared>>)
      %add3A_168 = arith.constant 2 : i32
      %add3A_169 = arith.addi %mul3A_133, %add3A_168 : i32
      %dma_start3A_170 = arith.constant 0 : i32
      %dma_start3A_171 = tpu.memref_slice %arg7[%add3A_169, %dma_start3A_170] : memref<40x128xi32, #tpu.memory_space<vmem>> -> memref<1x128xi32, #tpu.memory_space<vmem>>
      %dma_start3A_172 = tpu.memref_squeeze %dma_start3A_171 : memref<1x128xi32, #tpu.memory_space<vmem>> -> memref<128xi32, #tpu.memory_space<vmem>>
      %dma_start3A_173 = arith.constant 0 : i32
      %dma_start3A_174 = arith.constant 0 : i32
      %dma_start3A_175 = tpu.memref_slice %arg4[%dma_start3A_173, %dma_start3A_174] : memref<10240x128xf32, #tpu.memory_space<hbm>> -> memref<10240x128xf32, #tpu.memory_space<hbm>>
      tpu.enqueue_indirect_dma source(%dma_start3A_175 : memref<10240x128xf32, #tpu.memory_space<hbm>>) target(%arg9 : memref<128x128xf32, #tpu.memory_space<vmem>>) offsets(%dma_start3A_172 : memref<128xi32, #tpu.memory_space<vmem>>) semaphore(%arg12 : memref<!tpu.dma_semaphore, #tpu.memory_space<semaphore_mem>>)
      %add3A_176 = arith.constant 1 : i32
      %add3A_177 = arith.addi %mul3A_133, %add3A_176 : i32
      %dma_wait3A_178 = arith.constant 0 : i32
      %dma_wait3A_179 = tpu.memref_slice %arg8[%add3A_177, %dma_wait3A_178] : memref<40x128xi32, #tpu.memory_space<vmem>> -> memref<1x128xi32, #tpu.memory_space<vmem>>
      %dma_wait3A_180 = tpu.memref_squeeze %dma_wait3A_179 : memref<1x128xi32, #tpu.memory_space<vmem>> -> memref<128xi32, #tpu.memory_space<vmem>>
      %dma_wait3A_181 = arith.constant 0 : i32
      %dma_wait3A_182 = arith.constant 0 : i32
      %dma_wait3A_183 = tpu.memref_slice %arg11[%dma_wait3A_181, %dma_wait3A_182] : memref<10240x128xf32, #tpu.memory_space<vmem_shared>> -> memref<10240x128xf32, #tpu.memory_space<vmem_shared>>
      tpu.wait_indirect_dma semaphore(%arg15 : memref<!tpu.dma_semaphore, #tpu.memory_space<semaphore_mem>>) src(%arg10 : memref<128x128xf32, #tpu.memory_space<vmem>>) dst(%dma_wait3A_183 : memref<10240x128xf32, #tpu.memory_space<vmem_shared>>)
      %add3A_184 = arith.constant 3 : i32
      %add3A_185 = arith.addi %mul3A_133, %add3A_184 : i32
      %dma_start3A_186 = arith.constant 0 : i32
      %dma_start3A_187 = tpu.memref_slice %arg7[%add3A_185, %dma_start3A_186] : memref<40x128xi32, #tpu.memory_space<vmem>> -> memref<1x128xi32, #tpu.memory_space<vmem>>
      %dma_start3A_188 = tpu.memref_squeeze %dma_start3A_187 : memref<1x128xi32, #tpu.memory_space<vmem>> -> memref<128xi32, #tpu.memory_space<vmem>>
      %dma_start3A_189 = arith.constant 0 : i32
      %dma_start3A_190 = arith.constant 0 : i32
      %dma_start3A_191 = tpu.memref_slice %arg4[%dma_start3A_189, %dma_start3A_190] : memref<10240x128xf32, #tpu.memory_space<hbm>> -> memref<10240x128xf32, #tpu.memory_space<hbm>>
      tpu.enqueue_indirect_dma source(%dma_start3A_191 : memref<10240x128xf32, #tpu.memory_space<hbm>>) target(%arg10 : memref<128x128xf32, #tpu.memory_space<vmem>>) offsets(%dma_start3A_188 : memref<128xi32, #tpu.memory_space<vmem>>) semaphore(%arg13 : memref<!tpu.dma_semaphore, #tpu.memory_space<semaphore_mem>>)
    }
    %scan3A_83 = arith.constant 19 : i32
    %dma_wait3A_84 = arith.constant 38 : i32
    %dma_wait3A_85 = arith.constant 0 : i32
    %dma_wait3A_86 = tpu.memref_slice %arg7[%dma_wait3A_84, %dma_wait3A_85] : memref<40x128xi32, #tpu.memory_space<vmem>> -> memref<1x128xi32, #tpu.memory_space<vmem>>
    %dma_wait3A_87 = tpu.memref_squeeze %dma_wait3A_86 : memref<1x128xi32, #tpu.memory_space<vmem>> -> memref<128xi32, #tpu.memory_space<vmem>>
    %dma_wait3A_88 = arith.constant 0 : i32
    %dma_wait3A_89 = arith.constant 0 : i32
    %dma_wait3A_90 = tpu.memref_slice %arg4[%dma_wait3A_88, %dma_wait3A_89] : memref<10240x128xf32, #tpu.memory_space<hbm>> -> memref<10240x128xf32, #tpu.memory_space<hbm>>
    tpu.wait_indirect_dma semaphore(%arg12 : memref<!tpu.dma_semaphore, #tpu.memory_space<semaphore_mem>>) src(%dma_wait3A_90 : memref<10240x128xf32, #tpu.memory_space<hbm>>) dst(%arg9 : memref<128x128xf32, #tpu.memory_space<vmem>>)
    %dma_start3A_91 = arith.constant 38 : i32
    %dma_start3A_92 = arith.constant 0 : i32
    %dma_start3A_93 = tpu.memref_slice %arg8[%dma_start3A_91, %dma_start3A_92] : memref<40x128xi32, #tpu.memory_space<vmem>> -> memref<1x128xi32, #tpu.memory_space<vmem>>
    %dma_start3A_94 = tpu.memref_squeeze %dma_start3A_93 : memref<1x128xi32, #tpu.memory_space<vmem>> -> memref<128xi32, #tpu.memory_space<vmem>>
    %dma_start3A_95 = arith.constant 0 : i32
    %dma_start3A_96 = arith.constant 0 : i32
    %dma_start3A_97 = tpu.memref_slice %arg11[%dma_start3A_95, %dma_start3A_96] : memref<10240x128xf32, #tpu.memory_space<vmem_shared>> -> memref<10240x128xf32, #tpu.memory_space<vmem_shared>>
    tpu.enqueue_indirect_dma source(%arg9 : memref<128x128xf32, #tpu.memory_space<vmem>>) target(%dma_start3A_97 : memref<10240x128xf32, #tpu.memory_space<vmem_shared>>) offsets(%dma_start3A_94 : memref<128xi32, #tpu.memory_space<vmem>>) semaphore(%arg14 : memref<!tpu.dma_semaphore, #tpu.memory_space<semaphore_mem>>) {add = true}
    %dma_wait3A_98 = arith.constant 39 : i32
    %dma_wait3A_99 = arith.constant 0 : i32
    %dma_wait3A_100 = tpu.memref_slice %arg7[%dma_wait3A_98, %dma_wait3A_99] : memref<40x128xi32, #tpu.memory_space<vmem>> -> memref<1x128xi32, #tpu.memory_space<vmem>>
    %dma_wait3A_101 = tpu.memref_squeeze %dma_wait3A_100 : memref<1x128xi32, #tpu.memory_space<vmem>> -> memref<128xi32, #tpu.memory_space<vmem>>
    %dma_wait3A_102 = arith.constant 0 : i32
    %dma_wait3A_103 = arith.constant 0 : i32
    %dma_wait3A_104 = tpu.memref_slice %arg4[%dma_wait3A_102, %dma_wait3A_103] : memref<10240x128xf32, #tpu.memory_space<hbm>> -> memref<10240x128xf32, #tpu.memory_space<hbm>>
    tpu.wait_indirect_dma semaphore(%arg13 : memref<!tpu.dma_semaphore, #tpu.memory_space<semaphore_mem>>) src(%dma_wait3A_104 : memref<10240x128xf32, #tpu.memory_space<hbm>>) dst(%arg10 : memref<128x128xf32, #tpu.memory_space<vmem>>)
    %dma_start3A_105 = arith.constant 39 : i32
    %dma_start3A_106 = arith.constant 0 : i32
    %dma_start3A_107 = tpu.memref_slice %arg8[%dma_start3A_105, %dma_start3A_106] : memref<40x128xi32, #tpu.memory_space<vmem>> -> memref<1x128xi32, #tpu.memory_space<vmem>>
    %dma_start3A_108 = tpu.memref_squeeze %dma_start3A_107 : memref<1x128xi32, #tpu.memory_space<vmem>> -> memref<128xi32, #tpu.memory_space<vmem>>
    %dma_start3A_109 = arith.constant 0 : i32
    %dma_start3A_110 = arith.constant 0 : i32
    %dma_start3A_111 = tpu.memref_slice %arg11[%dma_start3A_109, %dma_start3A_110] : memref<10240x128xf32, #tpu.memory_space<vmem_shared>> -> memref<10240x128xf32, #tpu.memory_space<vmem_shared>>
    tpu.enqueue_indirect_dma source(%arg10 : memref<128x128xf32, #tpu.memory_space<vmem>>) target(%dma_start3A_111 : memref<10240x128xf32, #tpu.memory_space<vmem_shared>>) offsets(%dma_start3A_108 : memref<128xi32, #tpu.memory_space<vmem>>) semaphore(%arg15 : memref<!tpu.dma_semaphore, #tpu.memory_space<semaphore_mem>>) {add = true}
    %dma_wait3A_112 = arith.constant 38 : i32
    %dma_wait3A_113 = arith.constant 0 : i32
    %dma_wait3A_114 = tpu.memref_slice %arg8[%dma_wait3A_112, %dma_wait3A_113] : memref<40x128xi32, #tpu.memory_space<vmem>> -> memref<1x128xi32, #tpu.memory_space<vmem>>
    %dma_wait3A_115 = tpu.memref_squeeze %dma_wait3A_114 : memref<1x128xi32, #tpu.memory_space<vmem>> -> memref<128xi32, #tpu.memory_space<vmem>>
    %dma_wait3A_116 = arith.constant 0 : i32
    %dma_wait3A_117 = arith.constant 0 : i32
    %dma_wait3A_118 = tpu.memref_slice %arg11[%dma_wait3A_116, %dma_wait3A_117] : memref<10240x128xf32, #tpu.memory_space<vmem_shared>> -> memref<10240x128xf32, #tpu.memory_space<vmem_shared>>
    tpu.wait_indirect_dma semaphore(%arg14 : memref<!tpu.dma_semaphore, #tpu.memory_space<semaphore_mem>>) src(%arg9 : memref<128x128xf32, #tpu.memory_space<vmem>>) dst(%dma_wait3A_118 : memref<10240x128xf32, #tpu.memory_space<vmem_shared>>)
    %dma_wait3A_119 = arith.constant 39 : i32
    %dma_wait3A_120 = arith.constant 0 : i32
    %dma_wait3A_121 = tpu.memref_slice %arg8[%dma_wait3A_119, %dma_wait3A_120] : memref<40x128xi32, #tpu.memory_space<vmem>> -> memref<1x128xi32, #tpu.memory_space<vmem>>
    %dma_wait3A_122 = tpu.memref_squeeze %dma_wait3A_121 : memref<1x128xi32, #tpu.memory_space<vmem>> -> memref<128xi32, #tpu.memory_space<vmem>>
    %dma_wait3A_123 = arith.constant 0 : i32
    %dma_wait3A_124 = arith.constant 0 : i32
    %dma_wait3A_125 = tpu.memref_slice %arg11[%dma_wait3A_123, %dma_wait3A_124] : memref<10240x128xf32, #tpu.memory_space<vmem_shared>> -> memref<10240x128xf32, #tpu.memory_space<vmem_shared>>
    tpu.wait_indirect_dma semaphore(%arg15 : memref<!tpu.dma_semaphore, #tpu.memory_space<semaphore_mem>>) src(%arg10 : memref<128x128xf32, #tpu.memory_space<vmem>>) dst(%dma_wait3A_125 : memref<10240x128xf32, #tpu.memory_space<vmem_shared>>)
    %barrier3A_126 = arith.constant 0 : index
    tpu.barrier barrier_id(%barrier3A_126)
    %mul3A_127 = arith.constant 640 : i32
    %mul3A_128 = arith.muli %arg1, %mul3A_127 : i32
    %mul3A_129 = arith.constant 640 : i32
    %mul3A_130 = arith.muli %arg1, %mul3A_129 : i32
    "tpu.region"() ({
      %run_scoped3A = tpu.sem_alloc : memref<!tpu.dma_semaphore, #tpu.memory_space<semaphore_mem>>
      %dma_start3A_131 = arith.constant 0 : i32
      %dma_start3A_132 = tpu.memref_slice %arg6[%arg0, %mul3A_130, %dma_start3A_131] : memref<2x10240x128xf32, #tpu.memory_space<hbm>> -> memref<1x640x128xf32, #tpu.memory_space<hbm>>
      %dma_start3A_133 = tpu.memref_squeeze %dma_start3A_132 : memref<1x640x128xf32, #tpu.memory_space<hbm>> -> memref<640x128xf32, #tpu.memory_space<hbm>>
      %dma_start3A_134 = arith.constant 0 : i32
      %dma_start3A_135 = tpu.memref_slice %arg11[%mul3A_128, %dma_start3A_134] : memref<10240x128xf32, #tpu.memory_space<vmem_shared>> -> memref<640x128xf32, #tpu.memory_space<vmem_shared>>
      tpu.enqueue_dma source(%dma_start3A_135 : memref<640x128xf32, #tpu.memory_space<vmem_shared>>) target(%dma_start3A_133 : memref<640x128xf32, #tpu.memory_space<hbm>>) target_semaphore(%run_scoped3A : memref<!tpu.dma_semaphore, #tpu.memory_space<semaphore_mem>>)
      %dma_wait3A_136 = arith.constant 0 : i32
      %dma_wait3A_137 = tpu.memref_slice %arg6[%arg0, %mul3A_130, %dma_wait3A_136] : memref<2x10240x128xf32, #tpu.memory_space<hbm>> -> memref<1x640x128xf32, #tpu.memory_space<hbm>>
      %dma_wait3A_138 = tpu.memref_squeeze %dma_wait3A_137 : memref<1x640x128xf32, #tpu.memory_space<hbm>> -> memref<640x128xf32, #tpu.memory_space<hbm>>
      %dma_wait3A_139 = arith.constant 0 : i32
      %dma_wait3A_140 = tpu.memref_slice %arg11[%mul3A_128, %dma_wait3A_139] : memref<10240x128xf32, #tpu.memory_space<vmem_shared>> -> memref<640x128xf32, #tpu.memory_space<vmem_shared>>
      tpu.wait_dma2 semaphore(%run_scoped3A : memref<!tpu.dma_semaphore, #tpu.memory_space<semaphore_mem>>) src(%dma_wait3A_140 : memref<640x128xf32, #tpu.memory_space<vmem_shared>>) dst(%dma_wait3A_138 : memref<640x128xf32, #tpu.memory_space<hbm>>)
      tpu.yield
    }) : () -> ()
    return
  }
}

#map = affine_map<(d0, d1) -> (0, 0, 0)>
#map1 = affine_map<(d0, d1) -> (0, 0)>
module attributes {stable_mosaic.version = 14 : i64} {
  func.func @_agg_body(%arg0: i32, %arg1: i32, %arg2: memref<32x80x128xi32, #tpu.memory_space<hbm>>, %arg3: memref<32x80x128xi32, #tpu.memory_space<hbm>>, %arg4: memref<10240x128xf32, #tpu.memory_space<hbm>>, %arg5: memref<10240x128xf32, #tpu.memory_space<hbm>>, %arg6: memref<2x10240x128xf32, #tpu.memory_space<hbm>>, %arg7: memref<40x128xi32, #tpu.memory_space<vmem>>, %arg8: memref<40x128xi32, #tpu.memory_space<vmem>>, %arg9: memref<128x128xf32, #tpu.memory_space<vmem>>, %arg10: memref<128x128xf32, #tpu.memory_space<vmem>>, %arg11: memref<10240x128xf32, #tpu.memory_space<vmem_shared>>, %arg12: memref<!tpu.dma_semaphore, #tpu.memory_space<semaphore_mem>>, %arg13: memref<!tpu.dma_semaphore, #tpu.memory_space<semaphore_mem>>, %arg14: memref<!tpu.dma_semaphore, #tpu.memory_space<semaphore_mem>>, %arg15: memref<!tpu.dma_semaphore, #tpu.memory_space<semaphore_mem>>) attributes {dimension_semantics = [#tpu.dimension_semantics<core_parallel>, #tpu.dimension_semantics<subcore_parallel>], iteration_bounds = array<i64: 2, 16>, scalar_prefetch = 0 : i64, scratch_operands = 9 : i64, tpu.core_type = #tpu.core_type<sc_vector_subcore>, window_params = [{transform_indices = #map}, {transform_indices = #map}, {transform_indices = #map1}, {transform_indices = #map1}, {transform_indices = #map}]} {
    %mul3A = arith.constant 16 : i32
    %mul3A_0 = arith.muli %arg0, %mul3A : i32
    %add3A = arith.addi %mul3A_0, %arg1 : i32
    %mul3A_1 = arith.constant 640 : i32
    %mul3A_2 = arith.muli %arg1, %mul3A_1 : i32
    %mul3A_3 = arith.constant 640 : i32
    %mul3A_4 = arith.muli %arg1, %mul3A_3 : i32
    "tpu.region"() ({
      %run_scoped3A = tpu.sem_alloc : memref<!tpu.dma_semaphore, #tpu.memory_space<semaphore_mem>>
      %dma_start3A_131 = arith.constant 0 : i32
      %dma_start3A_132 = tpu.memref_slice %arg11[%mul3A_4, %dma_start3A_131] : memref<10240x128xf32, #tpu.memory_space<vmem_shared>> -> memref<640x128xf32, #tpu.memory_space<vmem_shared>>
      %dma_start3A_133 = arith.constant 0 : i32
      %dma_start3A_134 = tpu.memref_slice %arg5[%mul3A_2, %dma_start3A_133] : memref<10240x128xf32, #tpu.memory_space<hbm>> -> memref<640x128xf32, #tpu.memory_space<hbm>>
      tpu.enqueue_dma source(%dma_start3A_134 : memref<640x128xf32, #tpu.memory_space<hbm>>) target(%dma_start3A_132 : memref<640x128xf32, #tpu.memory_space<vmem_shared>>) target_semaphore(%run_scoped3A : memref<!tpu.dma_semaphore, #tpu.memory_space<semaphore_mem>>)
      %dma_wait3A_135 = arith.constant 0 : i32
      %dma_wait3A_136 = tpu.memref_slice %arg11[%mul3A_4, %dma_wait3A_135] : memref<10240x128xf32, #tpu.memory_space<vmem_shared>> -> memref<640x128xf32, #tpu.memory_space<vmem_shared>>
      %dma_wait3A_137 = arith.constant 0 : i32
      %dma_wait3A_138 = tpu.memref_slice %arg5[%mul3A_2, %dma_wait3A_137] : memref<10240x128xf32, #tpu.memory_space<hbm>> -> memref<640x128xf32, #tpu.memory_space<hbm>>
      tpu.wait_dma2 semaphore(%run_scoped3A : memref<!tpu.dma_semaphore, #tpu.memory_space<semaphore_mem>>) src(%dma_wait3A_138 : memref<640x128xf32, #tpu.memory_space<hbm>>) dst(%dma_wait3A_136 : memref<640x128xf32, #tpu.memory_space<vmem_shared>>)
      tpu.yield
    }) : () -> ()
    %barrier3A = arith.constant 0 : index
    tpu.barrier barrier_id(%barrier3A)
    "tpu.region"() ({
      %run_scoped3A = tpu.sem_alloc : memref<!tpu.dma_semaphore, #tpu.memory_space<semaphore_mem>>
      %dma_start3A_131 = arith.constant 0 : i32
      %dma_start3A_132 = arith.constant 0 : i32
      %dma_start3A_133 = tpu.memref_slice %arg2[%add3A, %dma_start3A_131, %dma_start3A_132] : memref<32x80x128xi32, #tpu.memory_space<hbm>> -> memref<1x40x128xi32, #tpu.memory_space<hbm>>
      %dma_start3A_134 = tpu.memref_squeeze %dma_start3A_133 : memref<1x40x128xi32, #tpu.memory_space<hbm>> -> memref<40x128xi32, #tpu.memory_space<hbm>>
      %dma_start3A_135 = arith.constant 0 : i32
      %dma_start3A_136 = arith.constant 0 : i32
      %dma_start3A_137 = tpu.memref_slice %arg2[%add3A, %dma_start3A_135, %dma_start3A_136] : memref<32x80x128xi32, #tpu.memory_space<hbm>> -> memref<1x40x128xi32, #tpu.memory_space<hbm>>
      %dma_start3A_138 = tpu.memref_squeeze %dma_start3A_137 : memref<1x40x128xi32, #tpu.memory_space<hbm>> -> memref<40x128xi32, #tpu.memory_space<hbm>>
      tpu.enqueue_dma source(%dma_start3A_138 : memref<40x128xi32, #tpu.memory_space<hbm>>) target(%arg7 : memref<40x128xi32, #tpu.memory_space<vmem>>) target_semaphore(%run_scoped3A : memref<!tpu.dma_semaphore, #tpu.memory_space<semaphore_mem>>)
      %dma_wait3A_139 = arith.constant 0 : i32
      %dma_wait3A_140 = arith.constant 0 : i32
      %dma_wait3A_141 = tpu.memref_slice %arg2[%add3A, %dma_wait3A_139, %dma_wait3A_140] : memref<32x80x128xi32, #tpu.memory_space<hbm>> -> memref<1x40x128xi32, #tpu.memory_space<hbm>>
      %dma_wait3A_142 = tpu.memref_squeeze %dma_wait3A_141 : memref<1x40x128xi32, #tpu.memory_space<hbm>> -> memref<40x128xi32, #tpu.memory_space<hbm>>
      %dma_wait3A_143 = arith.constant 0 : i32
      %dma_wait3A_144 = arith.constant 0 : i32
      %dma_wait3A_145 = tpu.memref_slice %arg2[%add3A, %dma_wait3A_143, %dma_wait3A_144] : memref<32x80x128xi32, #tpu.memory_space<hbm>> -> memref<1x40x128xi32, #tpu.memory_space<hbm>>
      %dma_wait3A_146 = tpu.memref_squeeze %dma_wait3A_145 : memref<1x40x128xi32, #tpu.memory_space<hbm>> -> memref<40x128xi32, #tpu.memory_space<hbm>>
      tpu.wait_dma2 semaphore(%run_scoped3A : memref<!tpu.dma_semaphore, #tpu.memory_space<semaphore_mem>>) src(%dma_wait3A_146 : memref<40x128xi32, #tpu.memory_space<hbm>>) dst(%arg7 : memref<40x128xi32, #tpu.memory_space<vmem>>)
      tpu.yield
    }) : () -> ()
    "tpu.region"() ({
      %run_scoped3A = tpu.sem_alloc : memref<!tpu.dma_semaphore, #tpu.memory_space<semaphore_mem>>
      %dma_start3A_131 = arith.constant 0 : i32
      %dma_start3A_132 = arith.constant 0 : i32
      %dma_start3A_133 = tpu.memref_slice %arg3[%add3A, %dma_start3A_131, %dma_start3A_132] : memref<32x80x128xi32, #tpu.memory_space<hbm>> -> memref<1x40x128xi32, #tpu.memory_space<hbm>>
      %dma_start3A_134 = tpu.memref_squeeze %dma_start3A_133 : memref<1x40x128xi32, #tpu.memory_space<hbm>> -> memref<40x128xi32, #tpu.memory_space<hbm>>
      %dma_start3A_135 = arith.constant 0 : i32
      %dma_start3A_136 = arith.constant 0 : i32
      %dma_start3A_137 = tpu.memref_slice %arg3[%add3A, %dma_start3A_135, %dma_start3A_136] : memref<32x80x128xi32, #tpu.memory_space<hbm>> -> memref<1x40x128xi32, #tpu.memory_space<hbm>>
      %dma_start3A_138 = tpu.memref_squeeze %dma_start3A_137 : memref<1x40x128xi32, #tpu.memory_space<hbm>> -> memref<40x128xi32, #tpu.memory_space<hbm>>
      tpu.enqueue_dma source(%dma_start3A_138 : memref<40x128xi32, #tpu.memory_space<hbm>>) target(%arg8 : memref<40x128xi32, #tpu.memory_space<vmem>>) target_semaphore(%run_scoped3A : memref<!tpu.dma_semaphore, #tpu.memory_space<semaphore_mem>>)
      %dma_wait3A_139 = arith.constant 0 : i32
      %dma_wait3A_140 = arith.constant 0 : i32
      %dma_wait3A_141 = tpu.memref_slice %arg3[%add3A, %dma_wait3A_139, %dma_wait3A_140] : memref<32x80x128xi32, #tpu.memory_space<hbm>> -> memref<1x40x128xi32, #tpu.memory_space<hbm>>
      %dma_wait3A_142 = tpu.memref_squeeze %dma_wait3A_141 : memref<1x40x128xi32, #tpu.memory_space<hbm>> -> memref<40x128xi32, #tpu.memory_space<hbm>>
      %dma_wait3A_143 = arith.constant 0 : i32
      %dma_wait3A_144 = arith.constant 0 : i32
      %dma_wait3A_145 = tpu.memref_slice %arg3[%add3A, %dma_wait3A_143, %dma_wait3A_144] : memref<32x80x128xi32, #tpu.memory_space<hbm>> -> memref<1x40x128xi32, #tpu.memory_space<hbm>>
      %dma_wait3A_146 = tpu.memref_squeeze %dma_wait3A_145 : memref<1x40x128xi32, #tpu.memory_space<hbm>> -> memref<40x128xi32, #tpu.memory_space<hbm>>
      tpu.wait_dma2 semaphore(%run_scoped3A : memref<!tpu.dma_semaphore, #tpu.memory_space<semaphore_mem>>) src(%dma_wait3A_146 : memref<40x128xi32, #tpu.memory_space<hbm>>) dst(%arg8 : memref<40x128xi32, #tpu.memory_space<vmem>>)
      tpu.yield
    }) : () -> ()
    %dma_start3A = arith.constant 0 : i32
    %dma_start3A_5 = arith.constant 0 : i32
    %dma_start3A_6 = tpu.memref_slice %arg7[%dma_start3A, %dma_start3A_5] : memref<40x128xi32, #tpu.memory_space<vmem>> -> memref<1x128xi32, #tpu.memory_space<vmem>>
    %dma_start3A_7 = tpu.memref_squeeze %dma_start3A_6 : memref<1x128xi32, #tpu.memory_space<vmem>> -> memref<128xi32, #tpu.memory_space<vmem>>
    %dma_start3A_8 = arith.constant 0 : i32
    %dma_start3A_9 = arith.constant 0 : i32
    %dma_start3A_10 = tpu.memref_slice %arg4[%dma_start3A_8, %dma_start3A_9] : memref<10240x128xf32, #tpu.memory_space<hbm>> -> memref<10240x128xf32, #tpu.memory_space<hbm>>
    tpu.enqueue_indirect_dma source(%dma_start3A_10 : memref<10240x128xf32, #tpu.memory_space<hbm>>) target(%arg9 : memref<128x128xf32, #tpu.memory_space<vmem>>) offsets(%dma_start3A_7 : memref<128xi32, #tpu.memory_space<vmem>>) semaphore(%arg12 : memref<!tpu.dma_semaphore, #tpu.memory_space<semaphore_mem>>)
    %dma_start3A_11 = arith.constant 1 : i32
    %dma_start3A_12 = arith.constant 0 : i32
    %dma_start3A_13 = tpu.memref_slice %arg7[%dma_start3A_11, %dma_start3A_12] : memref<40x128xi32, #tpu.memory_space<vmem>> -> memref<1x128xi32, #tpu.memory_space<vmem>>
    %dma_start3A_14 = tpu.memref_squeeze %dma_start3A_13 : memref<1x128xi32, #tpu.memory_space<vmem>> -> memref<128xi32, #tpu.memory_space<vmem>>
    %dma_start3A_15 = arith.constant 0 : i32
    %dma_start3A_16 = arith.constant 0 : i32
    %dma_start3A_17 = tpu.memref_slice %arg4[%dma_start3A_15, %dma_start3A_16] : memref<10240x128xf32, #tpu.memory_space<hbm>> -> memref<10240x128xf32, #tpu.memory_space<hbm>>
    tpu.enqueue_indirect_dma source(%dma_start3A_17 : memref<10240x128xf32, #tpu.memory_space<hbm>>) target(%arg10 : memref<128x128xf32, #tpu.memory_space<vmem>>) offsets(%dma_start3A_14 : memref<128xi32, #tpu.memory_space<vmem>>) semaphore(%arg13 : memref<!tpu.dma_semaphore, #tpu.memory_space<semaphore_mem>>)
    %scan3A = arith.constant 0 : i32
    %scan3A_18 = arith.constant 0 : i32
    %scan3A_19 = arith.constant 19 : i32
    %scan3A_20 = arith.addi %scan3A_18, %scan3A_19 : i32
    %scan3A_21 = arith.constant 1 : i32
    scf.for %scan3A_131 = %scan3A_18 to %scan3A_20 step %scan3A_21  : i32 {
      %mul3A_132 = arith.constant 2 : i32
      %mul3A_133 = arith.muli %mul3A_132, %scan3A_131 : i32
      %dma_wait3A_134 = arith.constant 0 : i32
      %dma_wait3A_135 = tpu.memref_slice %arg7[%mul3A_133, %dma_wait3A_134] : memref<40x128xi32, #tpu.memory_space<vmem>> -> memref<1x128xi32, #tpu.memory_space<vmem>>
      %dma_wait3A_136 = tpu.memref_squeeze %dma_wait3A_135 : memref<1x128xi32, #tpu.memory_space<vmem>> -> memref<128xi32, #tpu.memory_space<vmem>>
      %dma_wait3A_137 = arith.constant 0 : i32
      %dma_wait3A_138 = arith.constant 0 : i32
      %dma_wait3A_139 = tpu.memref_slice %arg4[%dma_wait3A_137, %dma_wait3A_138] : memref<10240x128xf32, #tpu.memory_space<hbm>> -> memref<10240x128xf32, #tpu.memory_space<hbm>>
      tpu.wait_indirect_dma semaphore(%arg12 : memref<!tpu.dma_semaphore, #tpu.memory_space<semaphore_mem>>) src(%dma_wait3A_139 : memref<10240x128xf32, #tpu.memory_space<hbm>>) dst(%arg9 : memref<128x128xf32, #tpu.memory_space<vmem>>)
      %dma_start3A_140 = arith.constant 0 : i32
      %dma_start3A_141 = tpu.memref_slice %arg8[%mul3A_133, %dma_start3A_140] : memref<40x128xi32, #tpu.memory_space<vmem>> -> memref<1x128xi32, #tpu.memory_space<vmem>>
      %dma_start3A_142 = tpu.memref_squeeze %dma_start3A_141 : memref<1x128xi32, #tpu.memory_space<vmem>> -> memref<128xi32, #tpu.memory_space<vmem>>
      %dma_start3A_143 = arith.constant 0 : i32
      %dma_start3A_144 = arith.constant 0 : i32
      %dma_start3A_145 = tpu.memref_slice %arg11[%dma_start3A_143, %dma_start3A_144] : memref<10240x128xf32, #tpu.memory_space<vmem_shared>> -> memref<10240x128xf32, #tpu.memory_space<vmem_shared>>
      tpu.enqueue_indirect_dma source(%arg9 : memref<128x128xf32, #tpu.memory_space<vmem>>) target(%dma_start3A_145 : memref<10240x128xf32, #tpu.memory_space<vmem_shared>>) offsets(%dma_start3A_142 : memref<128xi32, #tpu.memory_space<vmem>>) semaphore(%arg14 : memref<!tpu.dma_semaphore, #tpu.memory_space<semaphore_mem>>) {add = true}
      %add3A_146 = arith.constant 1 : i32
      %add3A_147 = arith.addi %mul3A_133, %add3A_146 : i32
      %dma_wait3A_148 = arith.constant 0 : i32
      %dma_wait3A_149 = tpu.memref_slice %arg7[%add3A_147, %dma_wait3A_148] : memref<40x128xi32, #tpu.memory_space<vmem>> -> memref<1x128xi32, #tpu.memory_space<vmem>>
      %dma_wait3A_150 = tpu.memref_squeeze %dma_wait3A_149 : memref<1x128xi32, #tpu.memory_space<vmem>> -> memref<128xi32, #tpu.memory_space<vmem>>
      %dma_wait3A_151 = arith.constant 0 : i32
      %dma_wait3A_152 = arith.constant 0 : i32
      %dma_wait3A_153 = tpu.memref_slice %arg4[%dma_wait3A_151, %dma_wait3A_152] : memref<10240x128xf32, #tpu.memory_space<hbm>> -> memref<10240x128xf32, #tpu.memory_space<hbm>>
      tpu.wait_indirect_dma semaphore(%arg13 : memref<!tpu.dma_semaphore, #tpu.memory_space<semaphore_mem>>) src(%dma_wait3A_153 : memref<10240x128xf32, #tpu.memory_space<hbm>>) dst(%arg10 : memref<128x128xf32, #tpu.memory_space<vmem>>)
      %add3A_154 = arith.constant 1 : i32
      %add3A_155 = arith.addi %mul3A_133, %add3A_154 : i32
      %dma_start3A_156 = arith.constant 0 : i32
      %dma_start3A_157 = tpu.memref_slice %arg8[%add3A_155, %dma_start3A_156] : memref<40x128xi32, #tpu.memory_space<vmem>> -> memref<1x128xi32, #tpu.memory_space<vmem>>
      %dma_start3A_158 = tpu.memref_squeeze %dma_start3A_157 : memref<1x128xi32, #tpu.memory_space<vmem>> -> memref<128xi32, #tpu.memory_space<vmem>>
      %dma_start3A_159 = arith.constant 0 : i32
      %dma_start3A_160 = arith.constant 0 : i32
      %dma_start3A_161 = tpu.memref_slice %arg11[%dma_start3A_159, %dma_start3A_160] : memref<10240x128xf32, #tpu.memory_space<vmem_shared>> -> memref<10240x128xf32, #tpu.memory_space<vmem_shared>>
      tpu.enqueue_indirect_dma source(%arg10 : memref<128x128xf32, #tpu.memory_space<vmem>>) target(%dma_start3A_161 : memref<10240x128xf32, #tpu.memory_space<vmem_shared>>) offsets(%dma_start3A_158 : memref<128xi32, #tpu.memory_space<vmem>>) semaphore(%arg15 : memref<!tpu.dma_semaphore, #tpu.memory_space<semaphore_mem>>) {add = true}
      %dma_wait3A_162 = arith.constant 0 : i32
      %dma_wait3A_163 = tpu.memref_slice %arg8[%mul3A_133, %dma_wait3A_162] : memref<40x128xi32, #tpu.memory_space<vmem>> -> memref<1x128xi32, #tpu.memory_space<vmem>>
      %dma_wait3A_164 = tpu.memref_squeeze %dma_wait3A_163 : memref<1x128xi32, #tpu.memory_space<vmem>> -> memref<128xi32, #tpu.memory_space<vmem>>
      %dma_wait3A_165 = arith.constant 0 : i32
      %dma_wait3A_166 = arith.constant 0 : i32
      %dma_wait3A_167 = tpu.memref_slice %arg11[%dma_wait3A_165, %dma_wait3A_166] : memref<10240x128xf32, #tpu.memory_space<vmem_shared>> -> memref<10240x128xf32, #tpu.memory_space<vmem_shared>>
      tpu.wait_indirect_dma semaphore(%arg14 : memref<!tpu.dma_semaphore, #tpu.memory_space<semaphore_mem>>) src(%arg9 : memref<128x128xf32, #tpu.memory_space<vmem>>) dst(%dma_wait3A_167 : memref<10240x128xf32, #tpu.memory_space<vmem_shared>>)
      %add3A_168 = arith.constant 2 : i32
      %add3A_169 = arith.addi %mul3A_133, %add3A_168 : i32
      %dma_start3A_170 = arith.constant 0 : i32
      %dma_start3A_171 = tpu.memref_slice %arg7[%add3A_169, %dma_start3A_170] : memref<40x128xi32, #tpu.memory_space<vmem>> -> memref<1x128xi32, #tpu.memory_space<vmem>>
      %dma_start3A_172 = tpu.memref_squeeze %dma_start3A_171 : memref<1x128xi32, #tpu.memory_space<vmem>> -> memref<128xi32, #tpu.memory_space<vmem>>
      %dma_start3A_173 = arith.constant 0 : i32
      %dma_start3A_174 = arith.constant 0 : i32
      %dma_start3A_175 = tpu.memref_slice %arg4[%dma_start3A_173, %dma_start3A_174] : memref<10240x128xf32, #tpu.memory_space<hbm>> -> memref<10240x128xf32, #tpu.memory_space<hbm>>
      tpu.enqueue_indirect_dma source(%dma_start3A_175 : memref<10240x128xf32, #tpu.memory_space<hbm>>) target(%arg9 : memref<128x128xf32, #tpu.memory_space<vmem>>) offsets(%dma_start3A_172 : memref<128xi32, #tpu.memory_space<vmem>>) semaphore(%arg12 : memref<!tpu.dma_semaphore, #tpu.memory_space<semaphore_mem>>)
      %add3A_176 = arith.constant 1 : i32
      %add3A_177 = arith.addi %mul3A_133, %add3A_176 : i32
      %dma_wait3A_178 = arith.constant 0 : i32
      %dma_wait3A_179 = tpu.memref_slice %arg8[%add3A_177, %dma_wait3A_178] : memref<40x128xi32, #tpu.memory_space<vmem>> -> memref<1x128xi32, #tpu.memory_space<vmem>>
      %dma_wait3A_180 = tpu.memref_squeeze %dma_wait3A_179 : memref<1x128xi32, #tpu.memory_space<vmem>> -> memref<128xi32, #tpu.memory_space<vmem>>
      %dma_wait3A_181 = arith.constant 0 : i32
      %dma_wait3A_182 = arith.constant 0 : i32
      %dma_wait3A_183 = tpu.memref_slice %arg11[%dma_wait3A_181, %dma_wait3A_182] : memref<10240x128xf32, #tpu.memory_space<vmem_shared>> -> memref<10240x128xf32, #tpu.memory_space<vmem_shared>>
      tpu.wait_indirect_dma semaphore(%arg15 : memref<!tpu.dma_semaphore, #tpu.memory_space<semaphore_mem>>) src(%arg10 : memref<128x128xf32, #tpu.memory_space<vmem>>) dst(%dma_wait3A_183 : memref<10240x128xf32, #tpu.memory_space<vmem_shared>>)
      %add3A_184 = arith.constant 3 : i32
      %add3A_185 = arith.addi %mul3A_133, %add3A_184 : i32
      %dma_start3A_186 = arith.constant 0 : i32
      %dma_start3A_187 = tpu.memref_slice %arg7[%add3A_185, %dma_start3A_186] : memref<40x128xi32, #tpu.memory_space<vmem>> -> memref<1x128xi32, #tpu.memory_space<vmem>>
      %dma_start3A_188 = tpu.memref_squeeze %dma_start3A_187 : memref<1x128xi32, #tpu.memory_space<vmem>> -> memref<128xi32, #tpu.memory_space<vmem>>
      %dma_start3A_189 = arith.constant 0 : i32
      %dma_start3A_190 = arith.constant 0 : i32
      %dma_start3A_191 = tpu.memref_slice %arg4[%dma_start3A_189, %dma_start3A_190] : memref<10240x128xf32, #tpu.memory_space<hbm>> -> memref<10240x128xf32, #tpu.memory_space<hbm>>
      tpu.enqueue_indirect_dma source(%dma_start3A_191 : memref<10240x128xf32, #tpu.memory_space<hbm>>) target(%arg10 : memref<128x128xf32, #tpu.memory_space<vmem>>) offsets(%dma_start3A_188 : memref<128xi32, #tpu.memory_space<vmem>>) semaphore(%arg13 : memref<!tpu.dma_semaphore, #tpu.memory_space<semaphore_mem>>)
    }
    %scan3A_22 = arith.constant 19 : i32
    %dma_wait3A = arith.constant 38 : i32
    %dma_wait3A_23 = arith.constant 0 : i32
    %dma_wait3A_24 = tpu.memref_slice %arg7[%dma_wait3A, %dma_wait3A_23] : memref<40x128xi32, #tpu.memory_space<vmem>> -> memref<1x128xi32, #tpu.memory_space<vmem>>
    %dma_wait3A_25 = tpu.memref_squeeze %dma_wait3A_24 : memref<1x128xi32, #tpu.memory_space<vmem>> -> memref<128xi32, #tpu.memory_space<vmem>>
    %dma_wait3A_26 = arith.constant 0 : i32
    %dma_wait3A_27 = arith.constant 0 : i32
    %dma_wait3A_28 = tpu.memref_slice %arg4[%dma_wait3A_26, %dma_wait3A_27] : memref<10240x128xf32, #tpu.memory_space<hbm>> -> memref<10240x128xf32, #tpu.memory_space<hbm>>
    tpu.wait_indirect_dma semaphore(%arg12 : memref<!tpu.dma_semaphore, #tpu.memory_space<semaphore_mem>>) src(%dma_wait3A_28 : memref<10240x128xf32, #tpu.memory_space<hbm>>) dst(%arg9 : memref<128x128xf32, #tpu.memory_space<vmem>>)
    %dma_start3A_29 = arith.constant 38 : i32
    %dma_start3A_30 = arith.constant 0 : i32
    %dma_start3A_31 = tpu.memref_slice %arg8[%dma_start3A_29, %dma_start3A_30] : memref<40x128xi32, #tpu.memory_space<vmem>> -> memref<1x128xi32, #tpu.memory_space<vmem>>
    %dma_start3A_32 = tpu.memref_squeeze %dma_start3A_31 : memref<1x128xi32, #tpu.memory_space<vmem>> -> memref<128xi32, #tpu.memory_space<vmem>>
    %dma_start3A_33 = arith.constant 0 : i32
    %dma_start3A_34 = arith.constant 0 : i32
    %dma_start3A_35 = tpu.memref_slice %arg11[%dma_start3A_33, %dma_start3A_34] : memref<10240x128xf32, #tpu.memory_space<vmem_shared>> -> memref<10240x128xf32, #tpu.memory_space<vmem_shared>>
    tpu.enqueue_indirect_dma source(%arg9 : memref<128x128xf32, #tpu.memory_space<vmem>>) target(%dma_start3A_35 : memref<10240x128xf32, #tpu.memory_space<vmem_shared>>) offsets(%dma_start3A_32 : memref<128xi32, #tpu.memory_space<vmem>>) semaphore(%arg14 : memref<!tpu.dma_semaphore, #tpu.memory_space<semaphore_mem>>) {add = true}
    %dma_wait3A_36 = arith.constant 39 : i32
    %dma_wait3A_37 = arith.constant 0 : i32
    %dma_wait3A_38 = tpu.memref_slice %arg7[%dma_wait3A_36, %dma_wait3A_37] : memref<40x128xi32, #tpu.memory_space<vmem>> -> memref<1x128xi32, #tpu.memory_space<vmem>>
    %dma_wait3A_39 = tpu.memref_squeeze %dma_wait3A_38 : memref<1x128xi32, #tpu.memory_space<vmem>> -> memref<128xi32, #tpu.memory_space<vmem>>
    %dma_wait3A_40 = arith.constant 0 : i32
    %dma_wait3A_41 = arith.constant 0 : i32
    %dma_wait3A_42 = tpu.memref_slice %arg4[%dma_wait3A_40, %dma_wait3A_41] : memref<10240x128xf32, #tpu.memory_space<hbm>> -> memref<10240x128xf32, #tpu.memory_space<hbm>>
    tpu.wait_indirect_dma semaphore(%arg13 : memref<!tpu.dma_semaphore, #tpu.memory_space<semaphore_mem>>) src(%dma_wait3A_42 : memref<10240x128xf32, #tpu.memory_space<hbm>>) dst(%arg10 : memref<128x128xf32, #tpu.memory_space<vmem>>)
    %dma_start3A_43 = arith.constant 39 : i32
    %dma_start3A_44 = arith.constant 0 : i32
    %dma_start3A_45 = tpu.memref_slice %arg8[%dma_start3A_43, %dma_start3A_44] : memref<40x128xi32, #tpu.memory_space<vmem>> -> memref<1x128xi32, #tpu.memory_space<vmem>>
    %dma_start3A_46 = tpu.memref_squeeze %dma_start3A_45 : memref<1x128xi32, #tpu.memory_space<vmem>> -> memref<128xi32, #tpu.memory_space<vmem>>
    %dma_start3A_47 = arith.constant 0 : i32
    %dma_start3A_48 = arith.constant 0 : i32
    %dma_start3A_49 = tpu.memref_slice %arg11[%dma_start3A_47, %dma_start3A_48] : memref<10240x128xf32, #tpu.memory_space<vmem_shared>> -> memref<10240x128xf32, #tpu.memory_space<vmem_shared>>
    tpu.enqueue_indirect_dma source(%arg10 : memref<128x128xf32, #tpu.memory_space<vmem>>) target(%dma_start3A_49 : memref<10240x128xf32, #tpu.memory_space<vmem_shared>>) offsets(%dma_start3A_46 : memref<128xi32, #tpu.memory_space<vmem>>) semaphore(%arg15 : memref<!tpu.dma_semaphore, #tpu.memory_space<semaphore_mem>>) {add = true}
    %dma_wait3A_50 = arith.constant 38 : i32
    %dma_wait3A_51 = arith.constant 0 : i32
    %dma_wait3A_52 = tpu.memref_slice %arg8[%dma_wait3A_50, %dma_wait3A_51] : memref<40x128xi32, #tpu.memory_space<vmem>> -> memref<1x128xi32, #tpu.memory_space<vmem>>
    %dma_wait3A_53 = tpu.memref_squeeze %dma_wait3A_52 : memref<1x128xi32, #tpu.memory_space<vmem>> -> memref<128xi32, #tpu.memory_space<vmem>>
    %dma_wait3A_54 = arith.constant 0 : i32
    %dma_wait3A_55 = arith.constant 0 : i32
    %dma_wait3A_56 = tpu.memref_slice %arg11[%dma_wait3A_54, %dma_wait3A_55] : memref<10240x128xf32, #tpu.memory_space<vmem_shared>> -> memref<10240x128xf32, #tpu.memory_space<vmem_shared>>
    tpu.wait_indirect_dma semaphore(%arg14 : memref<!tpu.dma_semaphore, #tpu.memory_space<semaphore_mem>>) src(%arg9 : memref<128x128xf32, #tpu.memory_space<vmem>>) dst(%dma_wait3A_56 : memref<10240x128xf32, #tpu.memory_space<vmem_shared>>)
    %dma_wait3A_57 = arith.constant 39 : i32
    %dma_wait3A_58 = arith.constant 0 : i32
    %dma_wait3A_59 = tpu.memref_slice %arg8[%dma_wait3A_57, %dma_wait3A_58] : memref<40x128xi32, #tpu.memory_space<vmem>> -> memref<1x128xi32, #tpu.memory_space<vmem>>
    %dma_wait3A_60 = tpu.memref_squeeze %dma_wait3A_59 : memref<1x128xi32, #tpu.memory_space<vmem>> -> memref<128xi32, #tpu.memory_space<vmem>>
    %dma_wait3A_61 = arith.constant 0 : i32
    %dma_wait3A_62 = arith.constant 0 : i32
    %dma_wait3A_63 = tpu.memref_slice %arg11[%dma_wait3A_61, %dma_wait3A_62] : memref<10240x128xf32, #tpu.memory_space<vmem_shared>> -> memref<10240x128xf32, #tpu.memory_space<vmem_shared>>
    tpu.wait_indirect_dma semaphore(%arg15 : memref<!tpu.dma_semaphore, #tpu.memory_space<semaphore_mem>>) src(%arg10 : memref<128x128xf32, #tpu.memory_space<vmem>>) dst(%dma_wait3A_63 : memref<10240x128xf32, #tpu.memory_space<vmem_shared>>)
    "tpu.region"() ({
      %run_scoped3A = tpu.sem_alloc : memref<!tpu.dma_semaphore, #tpu.memory_space<semaphore_mem>>
      %dma_start3A_131 = arith.constant 40 : i32
      %dma_start3A_132 = arith.constant 0 : i32
      %dma_start3A_133 = tpu.memref_slice %arg2[%add3A, %dma_start3A_131, %dma_start3A_132] : memref<32x80x128xi32, #tpu.memory_space<hbm>> -> memref<1x40x128xi32, #tpu.memory_space<hbm>>
      %dma_start3A_134 = tpu.memref_squeeze %dma_start3A_133 : memref<1x40x128xi32, #tpu.memory_space<hbm>> -> memref<40x128xi32, #tpu.memory_space<hbm>>
      %dma_start3A_135 = arith.constant 40 : i32
      %dma_start3A_136 = arith.constant 0 : i32
      %dma_start3A_137 = tpu.memref_slice %arg2[%add3A, %dma_start3A_135, %dma_start3A_136] : memref<32x80x128xi32, #tpu.memory_space<hbm>> -> memref<1x40x128xi32, #tpu.memory_space<hbm>>
      %dma_start3A_138 = tpu.memref_squeeze %dma_start3A_137 : memref<1x40x128xi32, #tpu.memory_space<hbm>> -> memref<40x128xi32, #tpu.memory_space<hbm>>
      tpu.enqueue_dma source(%dma_start3A_138 : memref<40x128xi32, #tpu.memory_space<hbm>>) target(%arg7 : memref<40x128xi32, #tpu.memory_space<vmem>>) target_semaphore(%run_scoped3A : memref<!tpu.dma_semaphore, #tpu.memory_space<semaphore_mem>>)
      %dma_wait3A_139 = arith.constant 40 : i32
      %dma_wait3A_140 = arith.constant 0 : i32
      %dma_wait3A_141 = tpu.memref_slice %arg2[%add3A, %dma_wait3A_139, %dma_wait3A_140] : memref<32x80x128xi32, #tpu.memory_space<hbm>> -> memref<1x40x128xi32, #tpu.memory_space<hbm>>
      %dma_wait3A_142 = tpu.memref_squeeze %dma_wait3A_141 : memref<1x40x128xi32, #tpu.memory_space<hbm>> -> memref<40x128xi32, #tpu.memory_space<hbm>>
      %dma_wait3A_143 = arith.constant 40 : i32
      %dma_wait3A_144 = arith.constant 0 : i32
      %dma_wait3A_145 = tpu.memref_slice %arg2[%add3A, %dma_wait3A_143, %dma_wait3A_144] : memref<32x80x128xi32, #tpu.memory_space<hbm>> -> memref<1x40x128xi32, #tpu.memory_space<hbm>>
      %dma_wait3A_146 = tpu.memref_squeeze %dma_wait3A_145 : memref<1x40x128xi32, #tpu.memory_space<hbm>> -> memref<40x128xi32, #tpu.memory_space<hbm>>
      tpu.wait_dma2 semaphore(%run_scoped3A : memref<!tpu.dma_semaphore, #tpu.memory_space<semaphore_mem>>) src(%dma_wait3A_146 : memref<40x128xi32, #tpu.memory_space<hbm>>) dst(%arg7 : memref<40x128xi32, #tpu.memory_space<vmem>>)
      tpu.yield
    }) : () -> ()
    "tpu.region"() ({
      %run_scoped3A = tpu.sem_alloc : memref<!tpu.dma_semaphore, #tpu.memory_space<semaphore_mem>>
      %dma_start3A_131 = arith.constant 40 : i32
      %dma_start3A_132 = arith.constant 0 : i32
      %dma_start3A_133 = tpu.memref_slice %arg3[%add3A, %dma_start3A_131, %dma_start3A_132] : memref<32x80x128xi32, #tpu.memory_space<hbm>> -> memref<1x40x128xi32, #tpu.memory_space<hbm>>
      %dma_start3A_134 = tpu.memref_squeeze %dma_start3A_133 : memref<1x40x128xi32, #tpu.memory_space<hbm>> -> memref<40x128xi32, #tpu.memory_space<hbm>>
      %dma_start3A_135 = arith.constant 40 : i32
      %dma_start3A_136 = arith.constant 0 : i32
      %dma_start3A_137 = tpu.memref_slice %arg3[%add3A, %dma_start3A_135, %dma_start3A_136] : memref<32x80x128xi32, #tpu.memory_space<hbm>> -> memref<1x40x128xi32, #tpu.memory_space<hbm>>
      %dma_start3A_138 = tpu.memref_squeeze %dma_start3A_137 : memref<1x40x128xi32, #tpu.memory_space<hbm>> -> memref<40x128xi32, #tpu.memory_space<hbm>>
      tpu.enqueue_dma source(%dma_start3A_138 : memref<40x128xi32, #tpu.memory_space<hbm>>) target(%arg8 : memref<40x128xi32, #tpu.memory_space<vmem>>) target_semaphore(%run_scoped3A : memref<!tpu.dma_semaphore, #tpu.memory_space<semaphore_mem>>)
      %dma_wait3A_139 = arith.constant 40 : i32
      %dma_wait3A_140 = arith.constant 0 : i32
      %dma_wait3A_141 = tpu.memref_slice %arg3[%add3A, %dma_wait3A_139, %dma_wait3A_140] : memref<32x80x128xi32, #tpu.memory_space<hbm>> -> memref<1x40x128xi32, #tpu.memory_space<hbm>>
      %dma_wait3A_142 = tpu.memref_squeeze %dma_wait3A_141 : memref<1x40x128xi32, #tpu.memory_space<hbm>> -> memref<40x128xi32, #tpu.memory_space<hbm>>
      %dma_wait3A_143 = arith.constant 40 : i32
      %dma_wait3A_144 = arith.constant 0 : i32
      %dma_wait3A_145 = tpu.memref_slice %arg3[%add3A, %dma_wait3A_143, %dma_wait3A_144] : memref<32x80x128xi32, #tpu.memory_space<hbm>> -> memref<1x40x128xi32, #tpu.memory_space<hbm>>
      %dma_wait3A_146 = tpu.memref_squeeze %dma_wait3A_145 : memref<1x40x128xi32, #tpu.memory_space<hbm>> -> memref<40x128xi32, #tpu.memory_space<hbm>>
      tpu.wait_dma2 semaphore(%run_scoped3A : memref<!tpu.dma_semaphore, #tpu.memory_space<semaphore_mem>>) src(%dma_wait3A_146 : memref<40x128xi32, #tpu.memory_space<hbm>>) dst(%arg8 : memref<40x128xi32, #tpu.memory_space<vmem>>)
      tpu.yield
    }) : () -> ()
    %dma_start3A_64 = arith.constant 0 : i32
    %dma_start3A_65 = arith.constant 0 : i32
    %dma_start3A_66 = tpu.memref_slice %arg7[%dma_start3A_64, %dma_start3A_65] : memref<40x128xi32, #tpu.memory_space<vmem>> -> memref<1x128xi32, #tpu.memory_space<vmem>>
    %dma_start3A_67 = tpu.memref_squeeze %dma_start3A_66 : memref<1x128xi32, #tpu.memory_space<vmem>> -> memref<128xi32, #tpu.memory_space<vmem>>
    %dma_start3A_68 = arith.constant 0 : i32
    %dma_start3A_69 = arith.constant 0 : i32
    %dma_start3A_70 = tpu.memref_slice %arg4[%dma_start3A_68, %dma_start3A_69] : memref<10240x128xf32, #tpu.memory_space<hbm>> -> memref<10240x128xf32, #tpu.memory_space<hbm>>
    tpu.enqueue_indirect_dma source(%dma_start3A_70 : memref<10240x128xf32, #tpu.memory_space<hbm>>) target(%arg9 : memref<128x128xf32, #tpu.memory_space<vmem>>) offsets(%dma_start3A_67 : memref<128xi32, #tpu.memory_space<vmem>>) semaphore(%arg12 : memref<!tpu.dma_semaphore, #tpu.memory_space<semaphore_mem>>)
    %dma_start3A_71 = arith.constant 1 : i32
    %dma_start3A_72 = arith.constant 0 : i32
    %dma_start3A_73 = tpu.memref_slice %arg7[%dma_start3A_71, %dma_start3A_72] : memref<40x128xi32, #tpu.memory_space<vmem>> -> memref<1x128xi32, #tpu.memory_space<vmem>>
    %dma_start3A_74 = tpu.memref_squeeze %dma_start3A_73 : memref<1x128xi32, #tpu.memory_space<vmem>> -> memref<128xi32, #tpu.memory_space<vmem>>
    %dma_start3A_75 = arith.constant 0 : i32
    %dma_start3A_76 = arith.constant 0 : i32
    %dma_start3A_77 = tpu.memref_slice %arg4[%dma_start3A_75, %dma_start3A_76] : memref<10240x128xf32, #tpu.memory_space<hbm>> -> memref<10240x128xf32, #tpu.memory_space<hbm>>
    tpu.enqueue_indirect_dma source(%dma_start3A_77 : memref<10240x128xf32, #tpu.memory_space<hbm>>) target(%arg10 : memref<128x128xf32, #tpu.memory_space<vmem>>) offsets(%dma_start3A_74 : memref<128xi32, #tpu.memory_space<vmem>>) semaphore(%arg13 : memref<!tpu.dma_semaphore, #tpu.memory_space<semaphore_mem>>)
    %scan3A_78 = arith.constant 0 : i32
    %scan3A_79 = arith.constant 0 : i32
    %scan3A_80 = arith.constant 19 : i32
    %scan3A_81 = arith.addi %scan3A_79, %scan3A_80 : i32
    %scan3A_82 = arith.constant 1 : i32
    scf.for %scan3A_131 = %scan3A_79 to %scan3A_81 step %scan3A_82  : i32 {
      %mul3A_132 = arith.constant 2 : i32
      %mul3A_133 = arith.muli %mul3A_132, %scan3A_131 : i32
      %dma_wait3A_134 = arith.constant 0 : i32
      %dma_wait3A_135 = tpu.memref_slice %arg7[%mul3A_133, %dma_wait3A_134] : memref<40x128xi32, #tpu.memory_space<vmem>> -> memref<1x128xi32, #tpu.memory_space<vmem>>
      %dma_wait3A_136 = tpu.memref_squeeze %dma_wait3A_135 : memref<1x128xi32, #tpu.memory_space<vmem>> -> memref<128xi32, #tpu.memory_space<vmem>>
      %dma_wait3A_137 = arith.constant 0 : i32
      %dma_wait3A_138 = arith.constant 0 : i32
      %dma_wait3A_139 = tpu.memref_slice %arg4[%dma_wait3A_137, %dma_wait3A_138] : memref<10240x128xf32, #tpu.memory_space<hbm>> -> memref<10240x128xf32, #tpu.memory_space<hbm>>
      tpu.wait_indirect_dma semaphore(%arg12 : memref<!tpu.dma_semaphore, #tpu.memory_space<semaphore_mem>>) src(%dma_wait3A_139 : memref<10240x128xf32, #tpu.memory_space<hbm>>) dst(%arg9 : memref<128x128xf32, #tpu.memory_space<vmem>>)
      %dma_start3A_140 = arith.constant 0 : i32
      %dma_start3A_141 = tpu.memref_slice %arg8[%mul3A_133, %dma_start3A_140] : memref<40x128xi32, #tpu.memory_space<vmem>> -> memref<1x128xi32, #tpu.memory_space<vmem>>
      %dma_start3A_142 = tpu.memref_squeeze %dma_start3A_141 : memref<1x128xi32, #tpu.memory_space<vmem>> -> memref<128xi32, #tpu.memory_space<vmem>>
      %dma_start3A_143 = arith.constant 0 : i32
      %dma_start3A_144 = arith.constant 0 : i32
      %dma_start3A_145 = tpu.memref_slice %arg11[%dma_start3A_143, %dma_start3A_144] : memref<10240x128xf32, #tpu.memory_space<vmem_shared>> -> memref<10240x128xf32, #tpu.memory_space<vmem_shared>>
      tpu.enqueue_indirect_dma source(%arg9 : memref<128x128xf32, #tpu.memory_space<vmem>>) target(%dma_start3A_145 : memref<10240x128xf32, #tpu.memory_space<vmem_shared>>) offsets(%dma_start3A_142 : memref<128xi32, #tpu.memory_space<vmem>>) semaphore(%arg14 : memref<!tpu.dma_semaphore, #tpu.memory_space<semaphore_mem>>) {add = true}
      %add3A_146 = arith.constant 1 : i32
      %add3A_147 = arith.addi %mul3A_133, %add3A_146 : i32
      %dma_wait3A_148 = arith.constant 0 : i32
      %dma_wait3A_149 = tpu.memref_slice %arg7[%add3A_147, %dma_wait3A_148] : memref<40x128xi32, #tpu.memory_space<vmem>> -> memref<1x128xi32, #tpu.memory_space<vmem>>
      %dma_wait3A_150 = tpu.memref_squeeze %dma_wait3A_149 : memref<1x128xi32, #tpu.memory_space<vmem>> -> memref<128xi32, #tpu.memory_space<vmem>>
      %dma_wait3A_151 = arith.constant 0 : i32
      %dma_wait3A_152 = arith.constant 0 : i32
      %dma_wait3A_153 = tpu.memref_slice %arg4[%dma_wait3A_151, %dma_wait3A_152] : memref<10240x128xf32, #tpu.memory_space<hbm>> -> memref<10240x128xf32, #tpu.memory_space<hbm>>
      tpu.wait_indirect_dma semaphore(%arg13 : memref<!tpu.dma_semaphore, #tpu.memory_space<semaphore_mem>>) src(%dma_wait3A_153 : memref<10240x128xf32, #tpu.memory_space<hbm>>) dst(%arg10 : memref<128x128xf32, #tpu.memory_space<vmem>>)
      %add3A_154 = arith.constant 1 : i32
      %add3A_155 = arith.addi %mul3A_133, %add3A_154 : i32
      %dma_start3A_156 = arith.constant 0 : i32
      %dma_start3A_157 = tpu.memref_slice %arg8[%add3A_155, %dma_start3A_156] : memref<40x128xi32, #tpu.memory_space<vmem>> -> memref<1x128xi32, #tpu.memory_space<vmem>>
      %dma_start3A_158 = tpu.memref_squeeze %dma_start3A_157 : memref<1x128xi32, #tpu.memory_space<vmem>> -> memref<128xi32, #tpu.memory_space<vmem>>
      %dma_start3A_159 = arith.constant 0 : i32
      %dma_start3A_160 = arith.constant 0 : i32
      %dma_start3A_161 = tpu.memref_slice %arg11[%dma_start3A_159, %dma_start3A_160] : memref<10240x128xf32, #tpu.memory_space<vmem_shared>> -> memref<10240x128xf32, #tpu.memory_space<vmem_shared>>
      tpu.enqueue_indirect_dma source(%arg10 : memref<128x128xf32, #tpu.memory_space<vmem>>) target(%dma_start3A_161 : memref<10240x128xf32, #tpu.memory_space<vmem_shared>>) offsets(%dma_start3A_158 : memref<128xi32, #tpu.memory_space<vmem>>) semaphore(%arg15 : memref<!tpu.dma_semaphore, #tpu.memory_space<semaphore_mem>>) {add = true}
      %dma_wait3A_162 = arith.constant 0 : i32
      %dma_wait3A_163 = tpu.memref_slice %arg8[%mul3A_133, %dma_wait3A_162] : memref<40x128xi32, #tpu.memory_space<vmem>> -> memref<1x128xi32, #tpu.memory_space<vmem>>
      %dma_wait3A_164 = tpu.memref_squeeze %dma_wait3A_163 : memref<1x128xi32, #tpu.memory_space<vmem>> -> memref<128xi32, #tpu.memory_space<vmem>>
      %dma_wait3A_165 = arith.constant 0 : i32
      %dma_wait3A_166 = arith.constant 0 : i32
      %dma_wait3A_167 = tpu.memref_slice %arg11[%dma_wait3A_165, %dma_wait3A_166] : memref<10240x128xf32, #tpu.memory_space<vmem_shared>> -> memref<10240x128xf32, #tpu.memory_space<vmem_shared>>
      tpu.wait_indirect_dma semaphore(%arg14 : memref<!tpu.dma_semaphore, #tpu.memory_space<semaphore_mem>>) src(%arg9 : memref<128x128xf32, #tpu.memory_space<vmem>>) dst(%dma_wait3A_167 : memref<10240x128xf32, #tpu.memory_space<vmem_shared>>)
      %add3A_168 = arith.constant 2 : i32
      %add3A_169 = arith.addi %mul3A_133, %add3A_168 : i32
      %dma_start3A_170 = arith.constant 0 : i32
      %dma_start3A_171 = tpu.memref_slice %arg7[%add3A_169, %dma_start3A_170] : memref<40x128xi32, #tpu.memory_space<vmem>> -> memref<1x128xi32, #tpu.memory_space<vmem>>
      %dma_start3A_172 = tpu.memref_squeeze %dma_start3A_171 : memref<1x128xi32, #tpu.memory_space<vmem>> -> memref<128xi32, #tpu.memory_space<vmem>>
      %dma_start3A_173 = arith.constant 0 : i32
      %dma_start3A_174 = arith.constant 0 : i32
      %dma_start3A_175 = tpu.memref_slice %arg4[%dma_start3A_173, %dma_start3A_174] : memref<10240x128xf32, #tpu.memory_space<hbm>> -> memref<10240x128xf32, #tpu.memory_space<hbm>>
      tpu.enqueue_indirect_dma source(%dma_start3A_175 : memref<10240x128xf32, #tpu.memory_space<hbm>>) target(%arg9 : memref<128x128xf32, #tpu.memory_space<vmem>>) offsets(%dma_start3A_172 : memref<128xi32, #tpu.memory_space<vmem>>) semaphore(%arg12 : memref<!tpu.dma_semaphore, #tpu.memory_space<semaphore_mem>>)
      %add3A_176 = arith.constant 1 : i32
      %add3A_177 = arith.addi %mul3A_133, %add3A_176 : i32
      %dma_wait3A_178 = arith.constant 0 : i32
      %dma_wait3A_179 = tpu.memref_slice %arg8[%add3A_177, %dma_wait3A_178] : memref<40x128xi32, #tpu.memory_space<vmem>> -> memref<1x128xi32, #tpu.memory_space<vmem>>
      %dma_wait3A_180 = tpu.memref_squeeze %dma_wait3A_179 : memref<1x128xi32, #tpu.memory_space<vmem>> -> memref<128xi32, #tpu.memory_space<vmem>>
      %dma_wait3A_181 = arith.constant 0 : i32
      %dma_wait3A_182 = arith.constant 0 : i32
      %dma_wait3A_183 = tpu.memref_slice %arg11[%dma_wait3A_181, %dma_wait3A_182] : memref<10240x128xf32, #tpu.memory_space<vmem_shared>> -> memref<10240x128xf32, #tpu.memory_space<vmem_shared>>
      tpu.wait_indirect_dma semaphore(%arg15 : memref<!tpu.dma_semaphore, #tpu.memory_space<semaphore_mem>>) src(%arg10 : memref<128x128xf32, #tpu.memory_space<vmem>>) dst(%dma_wait3A_183 : memref<10240x128xf32, #tpu.memory_space<vmem_shared>>)
      %add3A_184 = arith.constant 3 : i32
      %add3A_185 = arith.addi %mul3A_133, %add3A_184 : i32
      %dma_start3A_186 = arith.constant 0 : i32
      %dma_start3A_187 = tpu.memref_slice %arg7[%add3A_185, %dma_start3A_186] : memref<40x128xi32, #tpu.memory_space<vmem>> -> memref<1x128xi32, #tpu.memory_space<vmem>>
      %dma_start3A_188 = tpu.memref_squeeze %dma_start3A_187 : memref<1x128xi32, #tpu.memory_space<vmem>> -> memref<128xi32, #tpu.memory_space<vmem>>
      %dma_start3A_189 = arith.constant 0 : i32
      %dma_start3A_190 = arith.constant 0 : i32
      %dma_start3A_191 = tpu.memref_slice %arg4[%dma_start3A_189, %dma_start3A_190] : memref<10240x128xf32, #tpu.memory_space<hbm>> -> memref<10240x128xf32, #tpu.memory_space<hbm>>
      tpu.enqueue_indirect_dma source(%dma_start3A_191 : memref<10240x128xf32, #tpu.memory_space<hbm>>) target(%arg10 : memref<128x128xf32, #tpu.memory_space<vmem>>) offsets(%dma_start3A_188 : memref<128xi32, #tpu.memory_space<vmem>>) semaphore(%arg13 : memref<!tpu.dma_semaphore, #tpu.memory_space<semaphore_mem>>)
    }
    %scan3A_83 = arith.constant 19 : i32
    %dma_wait3A_84 = arith.constant 38 : i32
    %dma_wait3A_85 = arith.constant 0 : i32
    %dma_wait3A_86 = tpu.memref_slice %arg7[%dma_wait3A_84, %dma_wait3A_85] : memref<40x128xi32, #tpu.memory_space<vmem>> -> memref<1x128xi32, #tpu.memory_space<vmem>>
    %dma_wait3A_87 = tpu.memref_squeeze %dma_wait3A_86 : memref<1x128xi32, #tpu.memory_space<vmem>> -> memref<128xi32, #tpu.memory_space<vmem>>
    %dma_wait3A_88 = arith.constant 0 : i32
    %dma_wait3A_89 = arith.constant 0 : i32
    %dma_wait3A_90 = tpu.memref_slice %arg4[%dma_wait3A_88, %dma_wait3A_89] : memref<10240x128xf32, #tpu.memory_space<hbm>> -> memref<10240x128xf32, #tpu.memory_space<hbm>>
    tpu.wait_indirect_dma semaphore(%arg12 : memref<!tpu.dma_semaphore, #tpu.memory_space<semaphore_mem>>) src(%dma_wait3A_90 : memref<10240x128xf32, #tpu.memory_space<hbm>>) dst(%arg9 : memref<128x128xf32, #tpu.memory_space<vmem>>)
    %dma_start3A_91 = arith.constant 38 : i32
    %dma_start3A_92 = arith.constant 0 : i32
    %dma_start3A_93 = tpu.memref_slice %arg8[%dma_start3A_91, %dma_start3A_92] : memref<40x128xi32, #tpu.memory_space<vmem>> -> memref<1x128xi32, #tpu.memory_space<vmem>>
    %dma_start3A_94 = tpu.memref_squeeze %dma_start3A_93 : memref<1x128xi32, #tpu.memory_space<vmem>> -> memref<128xi32, #tpu.memory_space<vmem>>
    %dma_start3A_95 = arith.constant 0 : i32
    %dma_start3A_96 = arith.constant 0 : i32
    %dma_start3A_97 = tpu.memref_slice %arg11[%dma_start3A_95, %dma_start3A_96] : memref<10240x128xf32, #tpu.memory_space<vmem_shared>> -> memref<10240x128xf32, #tpu.memory_space<vmem_shared>>
    tpu.enqueue_indirect_dma source(%arg9 : memref<128x128xf32, #tpu.memory_space<vmem>>) target(%dma_start3A_97 : memref<10240x128xf32, #tpu.memory_space<vmem_shared>>) offsets(%dma_start3A_94 : memref<128xi32, #tpu.memory_space<vmem>>) semaphore(%arg14 : memref<!tpu.dma_semaphore, #tpu.memory_space<semaphore_mem>>) {add = true}
    %dma_wait3A_98 = arith.constant 39 : i32
    %dma_wait3A_99 = arith.constant 0 : i32
    %dma_wait3A_100 = tpu.memref_slice %arg7[%dma_wait3A_98, %dma_wait3A_99] : memref<40x128xi32, #tpu.memory_space<vmem>> -> memref<1x128xi32, #tpu.memory_space<vmem>>
    %dma_wait3A_101 = tpu.memref_squeeze %dma_wait3A_100 : memref<1x128xi32, #tpu.memory_space<vmem>> -> memref<128xi32, #tpu.memory_space<vmem>>
    %dma_wait3A_102 = arith.constant 0 : i32
    %dma_wait3A_103 = arith.constant 0 : i32
    %dma_wait3A_104 = tpu.memref_slice %arg4[%dma_wait3A_102, %dma_wait3A_103] : memref<10240x128xf32, #tpu.memory_space<hbm>> -> memref<10240x128xf32, #tpu.memory_space<hbm>>
    tpu.wait_indirect_dma semaphore(%arg13 : memref<!tpu.dma_semaphore, #tpu.memory_space<semaphore_mem>>) src(%dma_wait3A_104 : memref<10240x128xf32, #tpu.memory_space<hbm>>) dst(%arg10 : memref<128x128xf32, #tpu.memory_space<vmem>>)
    %dma_start3A_105 = arith.constant 39 : i32
    %dma_start3A_106 = arith.constant 0 : i32
    %dma_start3A_107 = tpu.memref_slice %arg8[%dma_start3A_105, %dma_start3A_106] : memref<40x128xi32, #tpu.memory_space<vmem>> -> memref<1x128xi32, #tpu.memory_space<vmem>>
    %dma_start3A_108 = tpu.memref_squeeze %dma_start3A_107 : memref<1x128xi32, #tpu.memory_space<vmem>> -> memref<128xi32, #tpu.memory_space<vmem>>
    %dma_start3A_109 = arith.constant 0 : i32
    %dma_start3A_110 = arith.constant 0 : i32
    %dma_start3A_111 = tpu.memref_slice %arg11[%dma_start3A_109, %dma_start3A_110] : memref<10240x128xf32, #tpu.memory_space<vmem_shared>> -> memref<10240x128xf32, #tpu.memory_space<vmem_shared>>
    tpu.enqueue_indirect_dma source(%arg10 : memref<128x128xf32, #tpu.memory_space<vmem>>) target(%dma_start3A_111 : memref<10240x128xf32, #tpu.memory_space<vmem_shared>>) offsets(%dma_start3A_108 : memref<128xi32, #tpu.memory_space<vmem>>) semaphore(%arg15 : memref<!tpu.dma_semaphore, #tpu.memory_space<semaphore_mem>>) {add = true}
    %dma_wait3A_112 = arith.constant 38 : i32
    %dma_wait3A_113 = arith.constant 0 : i32
    %dma_wait3A_114 = tpu.memref_slice %arg8[%dma_wait3A_112, %dma_wait3A_113] : memref<40x128xi32, #tpu.memory_space<vmem>> -> memref<1x128xi32, #tpu.memory_space<vmem>>
    %dma_wait3A_115 = tpu.memref_squeeze %dma_wait3A_114 : memref<1x128xi32, #tpu.memory_space<vmem>> -> memref<128xi32, #tpu.memory_space<vmem>>
    %dma_wait3A_116 = arith.constant 0 : i32
    %dma_wait3A_117 = arith.constant 0 : i32
    %dma_wait3A_118 = tpu.memref_slice %arg11[%dma_wait3A_116, %dma_wait3A_117] : memref<10240x128xf32, #tpu.memory_space<vmem_shared>> -> memref<10240x128xf32, #tpu.memory_space<vmem_shared>>
    tpu.wait_indirect_dma semaphore(%arg14 : memref<!tpu.dma_semaphore, #tpu.memory_space<semaphore_mem>>) src(%arg9 : memref<128x128xf32, #tpu.memory_space<vmem>>) dst(%dma_wait3A_118 : memref<10240x128xf32, #tpu.memory_space<vmem_shared>>)
    %dma_wait3A_119 = arith.constant 39 : i32
    %dma_wait3A_120 = arith.constant 0 : i32
    %dma_wait3A_121 = tpu.memref_slice %arg8[%dma_wait3A_119, %dma_wait3A_120] : memref<40x128xi32, #tpu.memory_space<vmem>> -> memref<1x128xi32, #tpu.memory_space<vmem>>
    %dma_wait3A_122 = tpu.memref_squeeze %dma_wait3A_121 : memref<1x128xi32, #tpu.memory_space<vmem>> -> memref<128xi32, #tpu.memory_space<vmem>>
    %dma_wait3A_123 = arith.constant 0 : i32
    %dma_wait3A_124 = arith.constant 0 : i32
    %dma_wait3A_125 = tpu.memref_slice %arg11[%dma_wait3A_123, %dma_wait3A_124] : memref<10240x128xf32, #tpu.memory_space<vmem_shared>> -> memref<10240x128xf32, #tpu.memory_space<vmem_shared>>
    tpu.wait_indirect_dma semaphore(%arg15 : memref<!tpu.dma_semaphore, #tpu.memory_space<semaphore_mem>>) src(%arg10 : memref<128x128xf32, #tpu.memory_space<vmem>>) dst(%dma_wait3A_125 : memref<10240x128xf32, #tpu.memory_space<vmem_shared>>)
    %barrier3A_126 = arith.constant 0 : index
    tpu.barrier barrier_id(%barrier3A_126)
    %mul3A_127 = arith.constant 640 : i32
    %mul3A_128 = arith.muli %arg1, %mul3A_127 : i32
    %mul3A_129 = arith.constant 640 : i32
    %mul3A_130 = arith.muli %arg1, %mul3A_129 : i32
    "tpu.region"() ({
      %run_scoped3A = tpu.sem_alloc : memref<!tpu.dma_semaphore, #tpu.memory_space<semaphore_mem>>
      %dma_start3A_131 = arith.constant 0 : i32
      %dma_start3A_132 = tpu.memref_slice %arg6[%arg0, %mul3A_130, %dma_start3A_131] : memref<2x10240x128xf32, #tpu.memory_space<hbm>> -> memref<1x640x128xf32, #tpu.memory_space<hbm>>
      %dma_start3A_133 = tpu.memref_squeeze %dma_start3A_132 : memref<1x640x128xf32, #tpu.memory_space<hbm>> -> memref<640x128xf32, #tpu.memory_space<hbm>>
      %dma_start3A_134 = arith.constant 0 : i32
      %dma_start3A_135 = tpu.memref_slice %arg11[%mul3A_128, %dma_start3A_134] : memref<10240x128xf32, #tpu.memory_space<vmem_shared>> -> memref<640x128xf32, #tpu.memory_space<vmem_shared>>
      tpu.enqueue_dma source(%dma_start3A_135 : memref<640x128xf32, #tpu.memory_space<vmem_shared>>) target(%dma_start3A_133 : memref<640x128xf32, #tpu.memory_space<hbm>>) target_semaphore(%run_scoped3A : memref<!tpu.dma_semaphore, #tpu.memory_space<semaphore_mem>>)
      %dma_wait3A_136 = arith.constant 0 : i32
      %dma_wait3A_137 = tpu.memref_slice %arg6[%arg0, %mul3A_130, %dma_wait3A_136] : memref<2x10240x128xf32, #tpu.memory_space<hbm>> -> memref<1x640x128xf32, #tpu.memory_space<hbm>>
      %dma_wait3A_138 = tpu.memref_squeeze %dma_wait3A_137 : memref<1x640x128xf32, #tpu.memory_space<hbm>> -> memref<640x128xf32, #tpu.memory_space<hbm>>
      %dma_wait3A_139 = arith.constant 0 : i32
      %dma_wait3A_140 = tpu.memref_slice %arg11[%mul3A_128, %dma_wait3A_139] : memref<10240x128xf32, #tpu.memory_space<vmem_shared>> -> memref<640x128xf32, #tpu.memory_space<vmem_shared>>
      tpu.wait_dma2 semaphore(%run_scoped3A : memref<!tpu.dma_semaphore, #tpu.memory_space<semaphore_mem>>) src(%dma_wait3A_140 : memref<640x128xf32, #tpu.memory_space<vmem_shared>>) dst(%dma_wait3A_138 : memref<640x128xf32, #tpu.memory_space<hbm>>)
      tpu.yield
    }) : () -> ()
    return
  }
}

module attributes {stable_mosaic.version = 14 : i64} {
  func.func @_tc1_body(%arg0: i32, %arg1: memref<1280x128xf32, #tpu.memory_space<vmem>>, %arg2: memref<128x128xf32, #tpu.memory_space<vmem>>, %arg3: memref<1x128xf32, #tpu.memory_space<vmem>>, %arg4: memref<1280x128xf32, #tpu.memory_space<vmem>>, %arg5: memref<1280x128xf32, #tpu.memory_space<vmem>>, %arg6: memref<1280x128xf32, #tpu.memory_space<vmem>>) attributes {dimension_semantics = [#tpu.dimension_semantics<arbitrary>], iteration_bounds = array<i64: 8>, scalar_prefetch = 0 : i64, scratch_operands = 0 : i64, tpu.core_type = #tpu.core_type<tc>, window_params = [{transform_indices = @transform_0, window_bounds = array<i64: 1280, 128>}, {pipeline_mode = #tpu.pipeline_mode<synchronous>, transform_indices = @transform_1, window_bounds = array<i64: 128, 128>}, {pipeline_mode = #tpu.pipeline_mode<synchronous>, transform_indices = @transform_2, window_bounds = array<i64: 1, 128>}, {transform_indices = @transform_3, window_bounds = array<i64: 1280, 128>}, {transform_indices = @transform_4, window_bounds = array<i64: 1280, 128>}, {transform_indices = @transform_5, window_bounds = array<i64: 1280, 128>}]} {
    %get3A = arith.constant 0 : index
    %get3A_0 = arith.constant 0 : index
    %get3A_1 = vector.load %arg1[%get3A, %get3A_0] : memref<1280x128xf32, #tpu.memory_space<vmem>>, vector<1280x128xf32>
    %get3A_2 = arith.constant 0 : index
    %get3A_3 = arith.constant 0 : index
    %get3A_4 = vector.load %arg2[%get3A_2, %get3A_3] : memref<128x128xf32, #tpu.memory_space<vmem>>, vector<128x128xf32>
    %dot_general3A = arith.constant dense<0.000000e+00> : vector<1280x128xf32>
    %dot_general3A_5 = tpu.matmul %get3A_1, %get3A_4, %dot_general3A {dimension_numbers = #tpu.dot_dimension_numbers<[1], [0], [0], [1], [0, 0, 1, 1], [], []>, transpose_lhs_hint = false} : vector<1280x128xf32>, vector<128x128xf32>, vector<1280x128xf32> -> vector<1280x128xf32>
    %get3A_6 = arith.constant 0 : index
    %get3A_7 = arith.constant 0 : index
    %get3A_8 = vector.load %arg3[%get3A_6, %get3A_7] : memref<1x128xf32, #tpu.memory_space<vmem>>, vector<1x128xf32>
    %add3A = vector.broadcast %get3A_8 : vector<1x128xf32> to vector<1280x128xf32>
    %add3A_9 = arith.addf %dot_general3A_5, %add3A : vector<1280x128xf32>
    %get3A_10 = arith.constant 0 : index
    %get3A_11 = arith.constant 0 : index
    %get3A_12 = vector.load %arg4[%get3A_10, %get3A_11] : memref<1280x128xf32, #tpu.memory_space<vmem>>, vector<1280x1xf32>
    %get3A_13 = arith.constant 0 : index
    %get3A_14 = arith.constant 0 : index
    %get3A_15 = vector.load %arg5[%get3A_13, %get3A_14] : memref<1280x128xf32, #tpu.memory_space<vmem>>, vector<1280x1xf32>
    %add3A_16 = arith.addf %get3A_12, %get3A_15 : vector<1280x1xf32>
    %add3A_17 = arith.constant 1.000000e+00 : f32
    %add3A_18 = vector.broadcast %add3A_17 : f32 to vector<1280x1xf32>
    %add3A_19 = arith.addf %add3A_16, %add3A_18 : vector<1280x1xf32>
    %rsqrt3A = math.rsqrt %add3A_19 : vector<1280x1xf32>
    %mul3A = vector.broadcast %rsqrt3A : vector<1280x1xf32> to vector<1280x128xf32>
    %mul3A_20 = arith.mulf %mul3A, %add3A_9 : vector<1280x128xf32>
    %swap3A = arith.constant 0 : index
    %swap3A_21 = arith.constant 0 : index
    %swap3A_22 = vector.load %arg6[%swap3A, %swap3A_21] : memref<1280x128xf32, #tpu.memory_space<vmem>>, vector<1280x128xf32>
    tpu.vector_store %arg6[%swap3A, %swap3A_21], %mul3A_20 {strides = array<i32>} : memref<1280x128xf32, #tpu.memory_space<vmem>>, vector<1280x128xf32>,
    return
  }
  func.func @transform_0(%arg0: i32) -> (i32, i32) {
    %c0_i32 = arith.constant 0 : i32
    %c0_i32_0 = arith.constant 0 : i32
    return %arg0, %c0_i32 : i32, i32
  }
  func.func @transform_1(%arg0: i32) -> (i32, i32) {
    %c0_i32 = arith.constant 0 : i32
    %c0_i32_0 = arith.constant 0 : i32
    %c0_i32_1 = arith.constant 0 : i32
    return %c0_i32, %c0_i32_0 : i32, i32
  }
  func.func @transform_2(%arg0: i32) -> (i32, i32) {
    %c0_i32 = arith.constant 0 : i32
    %c0_i32_0 = arith.constant 0 : i32
    %c0_i32_1 = arith.constant 0 : i32
    return %c0_i32, %c0_i32_0 : i32, i32
  }
  func.func @transform_3(%arg0: i32) -> (i32, i32) {
    %c0_i32 = arith.constant 0 : i32
    %c0_i32_0 = arith.constant 0 : i32
    return %arg0, %c0_i32 : i32, i32
  }
  func.func @transform_4(%arg0: i32) -> (i32, i32) {
    %c0_i32 = arith.constant 0 : i32
    %c0_i32_0 = arith.constant 0 : i32
    return %arg0, %c0_i32 : i32, i32
  }
  func.func @transform_5(%arg0: i32) -> (i32, i32) {
    %c0_i32 = arith.constant 0 : i32
    %c0_i32_0 = arith.constant 0 : i32
    return %arg0, %c0_i32 : i32, i32
  }
}

module attributes {stable_mosaic.version = 14 : i64} {
  func.func @_tc2_body(%arg0: i32, %arg1: memref<1280x128xf32, #tpu.memory_space<vmem>>, %arg2: memref<1280x128xf32, #tpu.memory_space<vmem>>, %arg3: memref<1280x128xf32, #tpu.memory_space<vmem>>, %arg4: memref<1280x128xf32, #tpu.memory_space<vmem>>, %arg5: memref<1280x128xf32, #tpu.memory_space<vmem>>, %arg6: memref<128x128xf32, #tpu.memory_space<vmem>>, %arg7: memref<1x128xf32, #tpu.memory_space<vmem>>, %arg8: memref<1280x128xf32, #tpu.memory_space<vmem>>) attributes {dimension_semantics = [#tpu.dimension_semantics<arbitrary>], iteration_bounds = array<i64: 8>, scalar_prefetch = 0 : i64, scratch_operands = 0 : i64, tpu.core_type = #tpu.core_type<tc>, window_params = [{transform_indices = @transform_0, window_bounds = array<i64: 1280, 128>}, {transform_indices = @transform_1, window_bounds = array<i64: 1280, 128>}, {transform_indices = @transform_2, window_bounds = array<i64: 1280, 128>}, {transform_indices = @transform_3, window_bounds = array<i64: 1280, 128>}, {transform_indices = @transform_4, window_bounds = array<i64: 1280, 128>}, {pipeline_mode = #tpu.pipeline_mode<synchronous>, transform_indices = @transform_5, window_bounds = array<i64: 128, 128>}, {pipeline_mode = #tpu.pipeline_mode<synchronous>, transform_indices = @transform_6, window_bounds = array<i64: 1, 128>}, {transform_indices = @transform_7, window_bounds = array<i64: 1280, 128>}]} {
    %get3A = arith.constant 0 : index
    %get3A_0 = arith.constant 0 : index
    %get3A_1 = vector.load %arg4[%get3A, %get3A_0] : memref<1280x128xf32, #tpu.memory_space<vmem>>, vector<1280x1xf32>
    %get3A_2 = arith.constant 0 : index
    %get3A_3 = arith.constant 0 : index
    %get3A_4 = vector.load %arg5[%get3A_2, %get3A_3] : memref<1280x128xf32, #tpu.memory_space<vmem>>, vector<1280x1xf32>
    %add3A = arith.addf %get3A_1, %get3A_4 : vector<1280x1xf32>
    %add3A_5 = arith.constant 1.000000e+00 : f32
    %add3A_6 = vector.broadcast %add3A_5 : f32 to vector<1280x1xf32>
    %add3A_7 = arith.addf %add3A, %add3A_6 : vector<1280x1xf32>
    %rsqrt3A = math.rsqrt %add3A_7 : vector<1280x1xf32>
    %get3A_8 = arith.constant 0 : index
    %get3A_9 = arith.constant 0 : index
    %get3A_10 = vector.load %arg1[%get3A_8, %get3A_9] : memref<1280x128xf32, #tpu.memory_space<vmem>>, vector<1280x128xf32>
    %get3A_11 = arith.constant 0 : index
    %get3A_12 = arith.constant 0 : index
    %get3A_13 = vector.load %arg2[%get3A_11, %get3A_12] : memref<1280x128xf32, #tpu.memory_space<vmem>>, vector<1280x128xf32>
    %add3A_14 = arith.addf %get3A_10, %get3A_13 : vector<1280x128xf32>
    %get3A_15 = arith.constant 0 : index
    %get3A_16 = arith.constant 0 : index
    %get3A_17 = vector.load %arg3[%get3A_15, %get3A_16] : memref<1280x128xf32, #tpu.memory_space<vmem>>, vector<1280x128xf32>
    %add3A_18 = arith.addf %add3A_14, %get3A_17 : vector<1280x128xf32>
    %mul3A = vector.broadcast %rsqrt3A : vector<1280x1xf32> to vector<1280x128xf32>
    %mul3A_19 = arith.mulf %mul3A, %add3A_18 : vector<1280x128xf32>
    %get3A_20 = arith.constant 0 : index
    %get3A_21 = arith.constant 0 : index
    %get3A_22 = vector.load %arg6[%get3A_20, %get3A_21] : memref<128x128xf32, #tpu.memory_space<vmem>>, vector<128x128xf32>
    %dot_general3A = arith.constant dense<0.000000e+00> : vector<1280x128xf32>
    %dot_general3A_23 = tpu.matmul %mul3A_19, %get3A_22, %dot_general3A {dimension_numbers = #tpu.dot_dimension_numbers<[1], [0], [0], [1], [0, 0, 1, 1], [], []>, transpose_lhs_hint = false} : vector<1280x128xf32>, vector<128x128xf32>, vector<1280x128xf32> -> vector<1280x128xf32>
    %get3A_24 = arith.constant 0 : index
    %get3A_25 = arith.constant 0 : index
    %get3A_26 = vector.load %arg7[%get3A_24, %get3A_25] : memref<1x128xf32, #tpu.memory_space<vmem>>, vector<1x128xf32>
    %add3A_27 = vector.broadcast %get3A_26 : vector<1x128xf32> to vector<1280x128xf32>
    %add3A_28 = arith.addf %dot_general3A_23, %add3A_27 : vector<1280x128xf32>
    %max3A = arith.constant 0.000000e+00 : f32
    %max3A_29 = vector.broadcast %max3A : f32 to vector<1280x128xf32>
    %max3A_30 = arith.maximumf %add3A_28, %max3A_29 : vector<1280x128xf32>
    %mul3A_31 = vector.broadcast %rsqrt3A : vector<1280x1xf32> to vector<1280x128xf32>
    %mul3A_32 = arith.mulf %mul3A_31, %max3A_30 : vector<1280x128xf32>
    %swap3A = arith.constant 0 : index
    %swap3A_33 = arith.constant 0 : index
    %swap3A_34 = vector.load %arg8[%swap3A, %swap3A_33] : memref<1280x128xf32, #tpu.memory_space<vmem>>, vector<1280x128xf32>
    tpu.vector_store %arg8[%swap3A, %swap3A_33], %mul3A_32 {strides = array<i32>} : memref<1280x128xf32, #tpu.memory_space<vmem>>, vector<1280x128xf32>,
    return
  }
  func.func @transform_0(%arg0: i32) -> (i32, i32) {
    %c0_i32 = arith.constant 0 : i32
    %c0_i32_0 = arith.constant 0 : i32
    return %arg0, %c0_i32 : i32, i32
  }
  func.func @transform_1(%arg0: i32) -> (i32, i32) {
    %c0_i32 = arith.constant 0 : i32
    %c0_i32_0 = arith.constant 0 : i32
    return %arg0, %c0_i32 : i32, i32
  }
  func.func @transform_2(%arg0: i32) -> (i32, i32) {
    %c0_i32 = arith.constant 0 : i32
    %c0_i32_0 = arith.constant 0 : i32
    return %arg0, %c0_i32 : i32, i32
  }
  func.func @transform_3(%arg0: i32) -> (i32, i32) {
    %c0_i32 = arith.constant 0 : i32
    %c0_i32_0 = arith.constant 0 : i32
    return %arg0, %c0_i32 : i32, i32
  }
  func.func @transform_4(%arg0: i32) -> (i32, i32) {
    %c0_i32 = arith.constant 0 : i32
    %c0_i32_0 = arith.constant 0 : i32
    return %arg0, %c0_i32 : i32, i32
  }
  func.func @transform_5(%arg0: i32) -> (i32, i32) {
    %c0_i32 = arith.constant 0 : i32
    %c0_i32_0 = arith.constant 0 : i32
    %c0_i32_1 = arith.constant 0 : i32
    return %c0_i32, %c0_i32_0 : i32, i32
  }
  func.func @transform_6(%arg0: i32) -> (i32, i32) {
    %c0_i32 = arith.constant 0 : i32
    %c0_i32_0 = arith.constant 0 : i32
    %c0_i32_1 = arith.constant 0 : i32
    return %c0_i32, %c0_i32_0 : i32, i32
  }
  func.func @transform_7(%arg0: i32) -> (i32, i32) {
    %c0_i32 = arith.constant 0 : i32
    %c0_i32_0 = arith.constant 0 : i32
    return %arg0, %c0_i32 : i32, i32
  }
}

module attributes {stable_mosaic.version = 14 : i64} {
  func.func @_tc3_body(%arg0: i32, %arg1: memref<1280x128xf32, #tpu.memory_space<vmem>>, %arg2: memref<1280x128xf32, #tpu.memory_space<vmem>>, %arg3: memref<1280x128xf32, #tpu.memory_space<vmem>>, %arg4: memref<1280x128xf32, #tpu.memory_space<vmem>>, %arg5: memref<1280x128xf32, #tpu.memory_space<vmem>>, %arg6: memref<128x128xf32, #tpu.memory_space<vmem>>, %arg7: memref<1x128xf32, #tpu.memory_space<vmem>>, %arg8: memref<1280x128xf32, #tpu.memory_space<vmem>>) attributes {dimension_semantics = [#tpu.dimension_semantics<arbitrary>], iteration_bounds = array<i64: 8>, scalar_prefetch = 0 : i64, scratch_operands = 0 : i64, tpu.core_type = #tpu.core_type<tc>, window_params = [{transform_indices = @transform_0, window_bounds = array<i64: 1280, 128>}, {transform_indices = @transform_1, window_bounds = array<i64: 1280, 128>}, {transform_indices = @transform_2, window_bounds = array<i64: 1280, 128>}, {transform_indices = @transform_3, window_bounds = array<i64: 1280, 128>}, {transform_indices = @transform_4, window_bounds = array<i64: 1280, 128>}, {pipeline_mode = #tpu.pipeline_mode<synchronous>, transform_indices = @transform_5, window_bounds = array<i64: 128, 128>}, {pipeline_mode = #tpu.pipeline_mode<synchronous>, transform_indices = @transform_6, window_bounds = array<i64: 1, 128>}, {transform_indices = @transform_7, window_bounds = array<i64: 1280, 128>}]} {
    %get3A = arith.constant 0 : index
    %get3A_0 = arith.constant 0 : index
    %get3A_1 = vector.load %arg4[%get3A, %get3A_0] : memref<1280x128xf32, #tpu.memory_space<vmem>>, vector<1280x1xf32>
    %get3A_2 = arith.constant 0 : index
    %get3A_3 = arith.constant 0 : index
    %get3A_4 = vector.load %arg5[%get3A_2, %get3A_3] : memref<1280x128xf32, #tpu.memory_space<vmem>>, vector<1280x1xf32>
    %add3A = arith.addf %get3A_1, %get3A_4 : vector<1280x1xf32>
    %add3A_5 = arith.constant 1.000000e+00 : f32
    %add3A_6 = vector.broadcast %add3A_5 : f32 to vector<1280x1xf32>
    %add3A_7 = arith.addf %add3A, %add3A_6 : vector<1280x1xf32>
    %rsqrt3A = math.rsqrt %add3A_7 : vector<1280x1xf32>
    %get3A_8 = arith.constant 0 : index
    %get3A_9 = arith.constant 0 : index
    %get3A_10 = vector.load %arg1[%get3A_8, %get3A_9] : memref<1280x128xf32, #tpu.memory_space<vmem>>, vector<1280x128xf32>
    %get3A_11 = arith.constant 0 : index
    %get3A_12 = arith.constant 0 : index
    %get3A_13 = vector.load %arg2[%get3A_11, %get3A_12] : memref<1280x128xf32, #tpu.memory_space<vmem>>, vector<1280x128xf32>
    %add3A_14 = arith.addf %get3A_10, %get3A_13 : vector<1280x128xf32>
    %get3A_15 = arith.constant 0 : index
    %get3A_16 = arith.constant 0 : index
    %get3A_17 = vector.load %arg3[%get3A_15, %get3A_16] : memref<1280x128xf32, #tpu.memory_space<vmem>>, vector<1280x128xf32>
    %add3A_18 = arith.addf %add3A_14, %get3A_17 : vector<1280x128xf32>
    %mul3A = vector.broadcast %rsqrt3A : vector<1280x1xf32> to vector<1280x128xf32>
    %mul3A_19 = arith.mulf %mul3A, %add3A_18 : vector<1280x128xf32>
    %get3A_20 = arith.constant 0 : index
    %get3A_21 = arith.constant 0 : index
    %get3A_22 = vector.load %arg6[%get3A_20, %get3A_21] : memref<128x128xf32, #tpu.memory_space<vmem>>, vector<128x128xf32>
    %dot_general3A = arith.constant dense<0.000000e+00> : vector<1280x128xf32>
    %dot_general3A_23 = tpu.matmul %mul3A_19, %get3A_22, %dot_general3A {dimension_numbers = #tpu.dot_dimension_numbers<[1], [0], [0], [1], [0, 0, 1, 1], [], []>, transpose_lhs_hint = false} : vector<1280x128xf32>, vector<128x128xf32>, vector<1280x128xf32> -> vector<1280x128xf32>
    %get3A_24 = arith.constant 0 : index
    %get3A_25 = arith.constant 0 : index
    %get3A_26 = vector.load %arg7[%get3A_24, %get3A_25] : memref<1x128xf32, #tpu.memory_space<vmem>>, vector<1x128xf32>
    %add3A_27 = vector.broadcast %get3A_26 : vector<1x128xf32> to vector<1280x128xf32>
    %add3A_28 = arith.addf %dot_general3A_23, %add3A_27 : vector<1280x128xf32>
    %iota3A = tpu.iota {dimensions = array<i32: 1>} : vector<1280x128xi32>
    %ge3A = arith.constant 64 : i32
    %ge3A_29 = vector.broadcast %ge3A : i32 to vector<1280x128xi32>
    %ge3A_30 = arith.cmpi sge, %iota3A, %ge3A_29 : vector<1280x128xi32>
    %max3A = arith.constant 0.000000e+00 : f32
    %max3A_31 = vector.broadcast %max3A : f32 to vector<1280x128xf32>
    %max3A_32 = arith.maximumf %add3A_28, %max3A_31 : vector<1280x128xf32>
    %select_n3A = arith.select %ge3A_30, %max3A_32, %add3A_28 : vector<1280x128xi1>, vector<1280x128xf32>
    %swap3A = arith.constant 0 : index
    %swap3A_33 = arith.constant 0 : index
    %swap3A_34 = vector.load %arg8[%swap3A, %swap3A_33] : memref<1280x128xf32, #tpu.memory_space<vmem>>, vector<1280x128xf32>
    tpu.vector_store %arg8[%swap3A, %swap3A_33], %select_n3A {strides = array<i32>} : memref<1280x128xf32, #tpu.memory_space<vmem>>, vector<1280x128xf32>,
    return
  }
  func.func @transform_0(%arg0: i32) -> (i32, i32) {
    %c0_i32 = arith.constant 0 : i32
    %c0_i32_0 = arith.constant 0 : i32
    return %arg0, %c0_i32 : i32, i32
  }
  func.func @transform_1(%arg0: i32) -> (i32, i32) {
    %c0_i32 = arith.constant 0 : i32
    %c0_i32_0 = arith.constant 0 : i32
    return %arg0, %c0_i32 : i32, i32
  }
  func.func @transform_2(%arg0: i32) -> (i32, i32) {
    %c0_i32 = arith.constant 0 : i32
    %c0_i32_0 = arith.constant 0 : i32
    return %arg0, %c0_i32 : i32, i32
  }
  func.func @transform_3(%arg0: i32) -> (i32, i32) {
    %c0_i32 = arith.constant 0 : i32
    %c0_i32_0 = arith.constant 0 : i32
    return %arg0, %c0_i32 : i32, i32
  }
  func.func @transform_4(%arg0: i32) -> (i32, i32) {
    %c0_i32 = arith.constant 0 : i32
    %c0_i32_0 = arith.constant 0 : i32
    return %arg0, %c0_i32 : i32, i32
  }
  func.func @transform_5(%arg0: i32) -> (i32, i32) {
    %c0_i32 = arith.constant 0 : i32
    %c0_i32_0 = arith.constant 0 : i32
    %c0_i32_1 = arith.constant 0 : i32
    return %c0_i32, %c0_i32_0 : i32, i32
  }
  func.func @transform_6(%arg0: i32) -> (i32, i32) {
    %c0_i32 = arith.constant 0 : i32
    %c0_i32_0 = arith.constant 0 : i32
    %c0_i32_1 = arith.constant 0 : i32
    return %c0_i32, %c0_i32_0 : i32, i32
  }
  func.func @transform_7(%arg0: i32) -> (i32, i32) {
    %c0_i32 = arith.constant 0 : i32
    %c0_i32_0 = arith.constant 0 : i32
    return %arg0, %c0_i32 : i32, i32
  }
}

</mosaic_0001>

<sc_bundles>
// kernel: kernel.11.cloned.1.call-start
scs
__scs_entry_jumppad:
0x0: {  	(pc) =	sbr.rel $0x88, $3  }
0x1: {  	(tag) =	ssettag $0x0;
	lr =	simm.s32 $0x1  }
0x2: {  	[smem:$0x3F97] =	sst lr;
	_ =	strace $0xD0000000  }
0x3: {  	_ = 	snop  }
0x4: {  	_ = 	snop  }
0x5: {  	_ = 	snop  }
0x6: {  	_ = 	snop  }
0x7: {  	_ = 	snop  }
__scs_overlays_trampoline_lowered:
0x8: {  	[smem:$0x3FA6] =	sst s0  }
0x9: {  	[smem:$0x3FA7] =	sst s1  }
0xa: {  	[smem:$0x3FA8] =	sst s2  }
0xb: {  	[smem:$0x3FA9] =	sst s3  }
0xc: {  	[smem:$0x3FAA] =	sst s4  }
0xd: {  	[smem:$0x3FAB] =	sst s5  }
0xe: {  	[smem:$0x3FAC] =	sst s6  }
0xf: {  	[smem:$0x3FAD] =	sst s7  }
0x10: {  	[smem:$0x3FAE] =	sst s8  }
0x11: {  	[smem:$0x3FAF] =	sst s9;
	s0 =	simm.s32 @!p0 $0x0  }
0x12: {  	s1 =	sld [smem:$0x3F95];
	s0 =	simm.s32 @p0 $0x1  }
0x13: {  	[smem:$0x3FB0] =	sst s0;
	s0 =	simm.s32 @!p1 $0x0  }
0x14: {  	s2 =	sld [smem:$0x3F94];
	s0 =	simm.s32 @p1 $0x1  }
0x15: {  	[smem:$0x3FB1] =	sst s0;
	s0 =	simm.s32 @!p2 $0x0  }
0x16: {  	s3 =	sld [smem:$0x3FDB];
	s0 =	simm.s32 @p2 $0x1  }
0x17: {  	s4 =	simm.s32 $0x1BF5;
	[smem:$0x3FB3] =	sst s0  }
0x18: {  	s0 =	sld [smem:$0x3F96];
	_ =	swait.ge [sflag:s4], $0x0  }
0x19: {  	s7 =	sld [smem:$0x3F97]  }
0x1a: {  	s8 =	sadd.s32 $0xFFFFE003, lr  }
0x1b: {  	s9 =	sadd.s32 $0xFFFFFEF7, lr;
	s5 =	simm.s32 $0xFFFFFFFF;
	p2 =	slt.u32 s8, $0xFFFFF086  }
0x1c: {  	p1 =	slt.u32 s9, $0xF7A;
	s5 =	simm.s32 @!p2 $0x0  }
0x1d: {  	s5 =	simm.s32 @p1 $0x1;
	p0 =	seq.s32 s7, s2  }
0x1e: {  	s7 =	smul.u32 @!p0 $0xF7A, s2;
	p2 =	seq.s32 @!p0 s5, $0x0  }
0x1f: {  	s9 =	smul.u32 $0xF7A, s1;
	s8 =	simm.s32 @!p0 $0x1BF5;
	p2 =	por !p2, p0  }
0x20: {  	[sflag:s8] =	ssyncset.s32 @!p0 $0xFFFFF086;
	s6 =	sadd.s32 @!p0 s3, s7;
	s7 =	simm.s32 @!p0 $0x108  }
0x21: {  	s3 =	sadd.s32 s3, s9;
	s6 =	sadd.s32 @!p0 $0x88, s6;
	s7 =	simm.s32 @p2 $0x1082  }
0x22: {  	[simem:s7], [sflag:s8] =	dma.local @!p0 [hbm:s6], $0xF7A  }
0x23: {  	s9 =	sor.u32 $0xD0000000, s2;
	s6 =	simm.s32 $0x108;
	_ =	swait.ge @!p0 [sflag:s8], $0x0  }
0x24: {  	s3 =	sadd.s32 $0x88, s3;
	s6 =	simm.s32 @!p1 $0x1082;
	[sflag:s4] =	ssyncset.s32 $0xFFFFF086  }
0x25: {  	[simem:s6], [sflag:s4] =	dma.local [hbm:s3], $0xF7A  }
0x26: {  	[smem:$0x3F97] =	sst s1;
	(tag) =	ssettag s2;
	_ =	strace s9  }
0x27: {  	s1 =	sld [smem:$0x3FA7]  }
0x28: {  	s2 =	sld [smem:$0x3FA8]  }
0x29: {  	s4 =	sld [smem:$0x3FAA]  }
0x2a: {  	p0 =	seq.s32 s5, $0x0;
	s5 =	sld [smem:$0x3FAB]  }
0x2b: {  	s6 =	sld [smem:$0x3FAC]  }
0x2c: {  	s7 =	sld [smem:$0x3FAD]  }
0x2d: {  	s3 =	simm.s32 $0x108;
	s8 =	sld [smem:$0x3FAE]  }
0x2e: {  	s3 =	simm.s32 @!p0 $0x1082;
	s9 =	sld [smem:$0x3FAF]  }
0x2f: {  	lr =	sadd.s32 s0, s3;
	s0 =	sld [smem:$0x3FA6]  }
0x30: {  	s3 =	sld [smem:$0x3FA9]  }
0x31: {  	[smem:$0x3FB2] =	sst s10  }
0x32: {  	s10 =	sld [smem:$0x3FB0];
	_ =	sdelay $0x3  }
0x33: {  	p0 =	seq.s32 s10, $0x1;
	s10 =	sld [smem:$0x3FB2];
	_ =	sdelay $0x3  }
0x34: {  	[smem:$0x3FB2] =	sst s10  }
0x35: {  	s10 =	sld [smem:$0x3FB1];
	_ =	sdelay $0x3  }
0x36: {  	p1 =	seq.s32 s10, $0x1;
	s10 =	sld [smem:$0x3FB2];
	_ =	sdelay $0x3  }
0x37: {  	[smem:$0x3FB2] =	sst s10  }
0x38: {  	s10 =	sld [smem:$0x3FB3]  }
0x39: {  	_ = 	snop;
	(pc) =	sbr.ind lr, $3  }
0x3a: {  	_ = 	snop  }
0x3b: {  	_ = 	snop  }
0x3c: {  	p2 =	seq.s32 s10, $0x1;
	s10 =	sld [smem:$0x3FB2]  }
0x3d: {  	_ =	shalt  }
0x3e: {  	_ =	shalt  }
0x3f: {  	_ =	shalt  }
0x40: {  	_ =	shalt  }
0x41: {  	_ =	shalt  }
0x42: {  	_ =	shalt  }
0x43: {  	_ =	shalt  }
0x44: {  	_ =	shalt  }
0x45: {  	_ =	shalt  }
0x46: {  	_ =	shalt  }
0x47: {  	_ =	shalt  }
0x48: {  	_ =	shalt  }
0x49: {  	_ =	shalt  }
0x4a: {  	_ =	shalt  }
0x4b: {  	_ =	shalt  }
0x4c: {  	_ =	shalt  }
0x4d: {  	_ =	shalt  }
0x4e: {  	_ =	shalt  }
0x4f: {  	_ =	shalt  }
0x50: {  	_ =	shalt  }
0x51: {  	_ =	shalt  }
0x52: {  	_ =	shalt  }
0x53: {  	_ =	shalt  }
0x54: {  	_ =	shalt  }
0x55: {  	_ =	shalt  }
0x56: {  	_ =	shalt  }
0x57: {  	_ =	shalt  }
0x58: {  	_ =	shalt  }
0x59: {  	_ =	shalt  }
0x5a: {  	_ =	shalt  }
0x5b: {  	_ =	shalt  }
0x5c: {  	_ =	shalt  }
0x5d: {  	_ =	shalt  }
0x5e: {  	_ =	shalt  }
0x5f: {  	_ =	shalt  }
0x60: {  	_ =	shalt  }
0x61: {  	_ =	shalt  }
0x62: {  	_ =	shalt  }
0x63: {  	_ =	shalt  }
0x64: {  	_ =	shalt  }
0x65: {  	_ =	shalt  }
0x66: {  	_ =	shalt  }
0x67: {  	_ =	shalt  }
0x68: {  	_ =	shalt  }
0x69: {  	_ =	shalt  }
0x6a: {  	_ =	shalt  }
0x6b: {  	_ =	shalt  }
0x6c: {  	_ =	shalt  }
0x6d: {  	_ =	shalt  }
0x6e: {  	_ =	shalt  }
0x6f: {  	_ =	shalt  }
0x70: {  	_ =	shalt  }
0x71: {  	_ =	shalt  }
0x72: {  	_ =	shalt  }
0x73: {  	_ =	shalt  }
0x74: {  	_ =	shalt  }
0x75: {  	_ =	shalt  }
0x76: {  	_ =	shalt  }
0x77: {  	_ =	shalt  }
0x78: {  	_ =	shalt  }
0x79: {  	_ =	shalt  }
0x7a: {  	_ =	shalt  }
0x7b: {  	_ =	shalt  }
0x7c: {  	_ =	shalt  }
0x7d: {  	_ =	shalt  }
0x7e: {  	_ =	shalt  }
0x7f: {  	_ =	shalt  }
0x80: {  	_ =	shalt  }
0x81: {  	_ =	shalt  }
0x82: {  	_ =	shalt  }
0x83: {  	_ =	shalt  }
0x84: {  	_ =	shalt  }
0x85: {  	_ =	shalt  }
0x86: {  	_ =	shalt  }
0x87: {  	_ =	shalt  }
.Lfunc_end0:
.L_simem_size_0:
called_computation.1_lowered:
.L_overlay_start_0:
0x88: {  	s2 =	sld [smem:$0x3FD9]  }
0x89: {  	s3 =	sld [smem:$0x3FFE];
	_ =	sdelay $0x1  }
0x8a: {  	s1 =	srdreg.scid  }
0x8b: {  	s0 =	sand.u32 $0x1, s1  }
0x8c: {  	s14 =	sshll.u32 s0, $0xA;
	s2 =	sadd.s32 s3, s2  }
0x8d: {  	s2 =	sadd.s32 s2, s14  }
0x8e: {  	[smem:$0x3FBE] =	sst s2  }
0x8f: {  	_ = 	snop  }
0x90: {  	s2 =	sld [smem:$0x3FD0];
	_ =	sdelay $0x2  }
0x91: {  	s15 =	simm.s32 $0xA;
	s4 =	simm.s32 $0x10  }
0x92: {  	[smem:s4], [sflag:s15] =	dma.local [hbm:s2], $0x1  }
0x93: {  	_ =	swait.eq [sflag:s15], $0x1  }
0x94: {  	[sflag:s15] =	ssyncset.done $0x0  }
0x95: {  	s16 =	sld [smem:$0x10];
	[sflag:s15] =	ssyncadd.s32 $0xFFFFFFFF  }
0x96: {  	s17 =	sld [smem:$0x11];
	(tm) =	ssettm $0x1  }
0x97: {  	s18 =	sld [smem:$0x3FFB];
	_ =	sdelay $0x3  }
0x98: {  	_ =	strace s18  }
0x99: {  	s4 =	sld [smem:$0x3FFC];
	_ =	sdelay $0x3  }
0x9a: {  	_ =	strace s4  }
0x9b: {  	s4 =	sld [smem:$0x3FFD];
	_ =	sdelay $0x3  }
0x9c: {  	_ =	strace s4  }
0x9d: {  	_ =	strace $0x8FFFFFFF  }
0x9e: {  	s19 =	sld [smem:$0x3FDB];
	_ =	sdelay $0x1  }
0x9f: {  	s5 =	simm.s32 $_scs_section_size  }
0xa0: {  	s6 =	simm.s32 $_size__tile_overlayer_lowered;
	s7 =	simm.s32 $_tile_overlayer_lowered  }
0xa1: {  	s22 =	simm.s32 $0x1BFF;
	s21 =	sshll.u32 s7, $0x1;
	s4 =	sadd.s32 s5, s19  }
0xa2: {  	s8 =	simm.s32 $0x0;
	s20 =	sshll.u32 s6, $0x1;
	s6 =	sadd.s32 s21, s4  }
0xa3: {  	[timem:s8], [sflag:s22] =	dma.local [hbm:s6], s20  }
0xa4: {  	_ =	swait.ge [sflag:s22], s20  }
0xa5: {  	s5 =	ssub.s32 $0x0, s20;
	[sflag:s22] =	ssyncset.done $0x0  }
0xa6: {  	[sflag:s22] =	ssyncadd.s32 s5;
	_ =	sdelay $0x1  }
0xa7: {  	s23 =	simm.s32 $0x1B8B  }
0xa8: {  	_ =	swait.ge [sflag:s23], $0x1  }
0xa9: {  	[sflag:s23] =	ssyncset.done $0x0  }
0xaa: {  	s25 =	simm.s32 $0x1B8E;
	s24 =	sld [smem:$0x3FFE];
	[sflag:s23] =	ssyncadd.s32 $0xFFFFFFFF  }
0xab: {  	s26 =	simm.s32 $execute0_lowered;
	[smem:$0x3FD2] =	sst s25  }
0xac: {  	s6 =	sshll.u32 s26, $0x1;
	_ =	strace $0x80000049;
	[dreg:$0x1] =	wrdreg $0xFFFFFFFF  }
0xad: {  	s28 =	simm.s32 $_size_execute0_lowered;
	s4 =	sadd.s32 s4, s6;
	[dreg:$0x0] =	wrdreg $0x0  }
0xae: {  	s6 =	sshll.u32 s28, $0x1;
	[dreg:$0x2] =	wrdreg s4  }
0xaf: {  	[dreg:$0x3] =	wrdreg s6  }
0xb0: {  	[dreg:$0x4] =	wrdreg $0xC0  }
0xb1: {  	_ =	task [dreg:s8], $0x5FFFF  }
0xb2: {  	[dreg:$0x1] =	wrdreg $0xFFFFFFFF  }
0xb3: {  	[dreg:$0x0] =	wrdreg $0x60  }
0xb4: {  	[dreg:$0x2] =	wrdreg s16  }
0xb5: {  	[dreg:$0x3] =	wrdreg s17  }
0xb6: {  	[dreg:$0x4] =	wrdreg s24  }
0xb7: {  	[dreg:$0x5] =	wrdreg $0xA8000  }
0xb8: {  	[dreg:$0x6] =	wrdreg $0x9  }
0xb9: {  	_ =	task.clear_ibuf [dreg:s8], $0x7FFFF;
	_ =	strace $0x90000049  }
0xba: {  	s29 =	simm.s32 $0x9;
	_ =	strace $0x8000004B  }
0xbb: {  	_ =	swait.ge [sflag:s29], $0x1  }
0xbc: {  	[sflag:s29] =	ssyncadd.s32 $0xFFFFFFFF  }
0xbd: {  	_ =	strace $0x9000004B  }
0xbe: {  	_ =	sfence  }
0xbf: {  	s30 =	sld [smem:$0x0];
	_ =	sdelay $0x2  }
0xc0: {  	s31 =	sshll.u32 s1, $0xD;
	s1 =	sshrl.u32 s1, $0x2  }
0xc1: {  	s3 =	sand.u32 $0x4000, s31;
	s1 =	sadd.s32 s1, s30  }
0xc2: {  	s0 =	sor.u32 s3, s0;
	s1 =	sshll.u32 s1, $0x11  }
0xc3: {  	s0 =	sor.u32 s1, s0  }
0xc4: {  	s0 =	sadd.s32 $0x8F2B, s0  }
0xc5: {  	[sflag:s0] =	ssyncadd.remote.s32 $0x1  }
0xc6: {  	_ =	sfence.sel $0xFFFF  }
0xc7: {  	[dreg:$0x0] =	wrdreg $0xFFFFFFFF;
	(pc) =	sbr.abs _section_cstart, $3  }
0xc8: {  	[dreg:$0x1] =	wrdreg $0xFFFFFFFF  }
0xc9: {  	_ =	task.clear_ibuf [dreg:s8], $0x2FFFF;
	_ =	strace $0x9FFFFFFF  }
0xca: {  	(tm) =	ssettm $0x7FFFFFFF  }
0xcb: {  	_ =	shalt  }
tec
execute0_lowered:
.L_overlay_start_1:
0x0: {  	(tag) =	ssettag $0x1  }
0x1: {  	s9 =	rddreg [dreg:$0x0]  }
0x2: {  	s10 =	rddreg [dreg:$0x1]  }
0x3: {  	s5 =	rddreg [dreg:$0x2]  }
0x4: {  	s2 =	rddreg [dreg:$0x3];
	s0 =	stileid.u32  }
0x5: {  	s4 =	srdreg.scid;
	s1 =	rddreg [dreg:$0x4]  }
0x6: {  	s3 =	simm.s32 $0x0;
	s16 =	simm.s32 $0x80;
	s17 =	simm.s32 $0x2800  }
0x7: {  	s18 =	simm.s32 $0x6800;
	s19 =	simm.s32 $0x1;
	s20 =	simm.s32 $0x2  }
0x8: {  	s21 =	simm.s32 $0x3;
	s22 =	simm.s32 $0x4;
	s23 =	simm.s32 $0x2700  }
0x9: {  	s24 =	simm.s32 $0x2780;
	s25 =	simm.s32 $0x0;
	s6 =	smul.u32 $0x14000, s0  }
0xa: {  	s7 =	sand.u32 $0x1, s4;
	[smem:$0x7FF] =	sst s3;
	s28 =	smul.u32 $0x50000, s0  }
0xb: {  	s4 =	sadd.s32 $0x7BE00, s5;
	s29 =	sshll.u32 s0, $0x6;
	s11 =	smul.u32 $0x140000, s7  }
0xc: {  	_ =	strace $0x8000004A;
	s12 =	sshll.u32 s7, $0x4;
	s7 =	ssub.s32 $0x2, s7  }
0xd: {  	s8 =	sshrl.u32 s6, $0x3;
	s12 =	sor.u32 s0, s12;
	s13 =	sshrl.u32 s7, $0x1  }
0xe: {  	s8 =	sadd.s32 s8, s5;
	s6 =	sadd.s32 s6, s11;
	s11 =	sshrl.u32 s28, $0x2  }
0xf: {  	s12 =	smul.u32 $0x2800, s12;
	s13 =	ssub.s32 s7, s13;
	s6 =	sshrl.u32 s6, $0x3  }
0x10: {  	s15 =	sadd.s32 s11, s2;
	s14 =	sadd.s32 s6, s5;
	s5 =	sadd.s32 $0x3E00, s8  }
0x11: {  	s30 =	sshrl.u32 s12, $0x3;
	s6 =	sor.u32 $0x1C05, s29;
	s12 =	smax.u32 s13, $0x1  }
0x12: {  	s13 =	sshrl.u32 s15, $0x3;
	s15 =	simm.s32 $0x1400;
	s7 =	sadd.s32 s9, s30  }
0x13: {  	s31 =	sadd.s32 $0x280, s30;
	s8 =	sadd.s32 s10, s30;
	s11 =	sadd.s32 $0xA3E00, s14  }
0x14: {  	s14 =	simm.s32 $0x5;
	s9 =	sadd.s32 s9, s31;
	s10 =	sadd.s32 s10, s31  }
.LBB2_1:
0x15: {  	[spmem:s13], [sflag:s6] =	dma.local [hbm:s5], $0x2800  }
0x16: {  	_ =	swait.ge [sflag:s14], $0x2800  }
0x17: {  	[sflag:s14] =	ssyncset.done $0x0  }
0x18: {  	[sflag:s14] =	ssyncadd.s32 $0xFFFFD800  }
0x19: {  	[bflag:$0x0] =	sbarrier.arrive $0xFFFF  }
0x1a: {  	[tilespmem:s3], [sflag:$0x5] =	stream.linear.gather [hbm4b:s7+s3], $0x1400, $0x38;
	[tilespmem:$0x1E800] =	vst v63  }
0x1b: {  	_ =	swait.ge [sflag:s14], $0x1400  }
0x1c: {  	[sflag:s14] =	ssyncset.done $0x0  }
0x1d: {  	[sflag:s14] =	ssyncadd.s32 $0xFFFFEC00  }
0x1e: {  	[tilespmem:s15], [sflag:$0x5] =	stream.linear.gather [hbm4b:s8+s3], $0x1400, $0x38;
	[tilespmem:$0x1E800] =	vst v63  }
0x1f: {  	_ =	swait.ge [sflag:s14], $0x1400  }
0x20: {  	[sflag:s14] =	ssyncset.done $0x0  }
0x21: {  	[sflag:s14] =	ssyncadd.s32 $0xFFFFEC00  }
0x22: {  	[tilespmem:s17], [sflag:$0x1] =	stream.indirect.gather [hbm4b:s4+s16], $0x80, s3, s16, $0xb8;
	[tilespmem:$0x1E800] =	vst v63  }
0x23: {  	_ = 	snop  }
0x24: {  	[tilespmem:s18], [sflag:$0x2] =	stream.indirect.gather [hbm4b:s4+s16], $0x80, s16, s16, $0xb8;
	[tilespmem:$0x1E800] =	vst v63  }
0x25: {  	_ =	swait.ge [sflag:s19], $0x4000  }
0x26: {  	[sflag:s19] =	ssyncset.done $0x0  }
0x27: {  	s26 =	simm.s32 $0x1400;
	[sflag:s19] =	ssyncadd.s32 $0xFFFFC000  }
0x28: {  	[spmem:s2] =	stream.indirect.scatter.add.f32 [tilespmem:s17], [sflag:$0x3], $0x80, s26, s16, $0xb8;
	[tilespmem:$0x1E800] =	vst v63  }
0x29: {  	_ =	swait.ge [sflag:s20], $0x4000  }
0x2a: {  	[sflag:s20] =	ssyncset.done $0x0  }
0x2b: {  	s30 =	simm.s32 $0x1480;
	[sflag:s20] =	ssyncadd.s32 $0xFFFFC000  }
0x2c: {  	[spmem:s2] =	stream.indirect.scatter.add.f32 [tilespmem:s18], [sflag:$0x4], $0x80, s30, s16, $0xb8;
	[tilespmem:$0x1E800] =	vst v63  }
0x2d: {  	_ =	swait.ge [sflag:s21], $0x4000  }
0x2e: {  	[sflag:s21] =	ssyncset.done $0x0  }
0x2f: {  	s31 =	simm.s32 $0x100;
	[sflag:s21] =	ssyncadd.s32 $0xFFFFC000  }
0x30: {  	[tilespmem:s17], [sflag:$0x1] =	stream.indirect.gather [hbm4b:s4+s16], $0x80, s31, s16, $0xb8;
	[tilespmem:$0x1E800] =	vst v63  }
0x31: {  	_ =	swait.ge [sflag:s22], $0x4000  }
0x32: {  	[sflag:s22] =	ssyncset.done $0x0  }
0x33: {  	s28 =	simm.s32 $0x180;
	s26 =	simm.s32 $0x400;
	[sflag:s22] =	ssyncadd.s32 $0xFFFFC000  }
.LBB2_2:
0x34: {  	[tilespmem:s18], [sflag:$0x2] =	stream.indirect.gather [hbm4b:s4+s16], $0x80, s28, s16, $0xb8;
	[tilespmem:$0x1E800] =	vst v63  }
0x35: {  	s28 =	smov.u32 s26  }
0x36: {  	p0 =	sne.s32 s26, $0x4800;
	s26 =	sadd.s32 $0x400, s26;
	_ =	swait.ge [sflag:s19], $0x4000  }
0x37: {  	s28 =	sshra.s32 s28, $0x2;
	[sflag:s19] =	ssyncset.done $0x0  }
0x38: {  	s29 =	sadd.s32 $0x1400, s28;
	[sflag:s19] =	ssyncadd.s32 $0xFFFFC000  }
0x39: {  	[spmem:s2] =	stream.indirect.scatter.add.f32 [tilespmem:s17], [sflag:$0x3], $0x80, s29, s16, $0xb8;
	[tilespmem:$0x1E800] =	vst v63  }
0x3a: {  	_ =	swait.ge [sflag:s20], $0x4000  }
0x3b: {  	[sflag:s20] =	ssyncset.done $0x0  }
0x3c: {  	s29 =	sadd.s32 $0x1480, s28;
	[sflag:s20] =	ssyncadd.s32 $0xFFFFC000  }
0x3d: {  	[spmem:s2] =	stream.indirect.scatter.add.f32 [tilespmem:s18], [sflag:$0x4], $0x80, s29, s16, $0xb8;
	[tilespmem:$0x1E800] =	vst v63  }
0x3e: {  	_ =	swait.ge [sflag:s21], $0x4000  }
0x3f: {  	[sflag:s21] =	ssyncset.done $0x0  }
.Ltmp0:
0x40: {  	s29 =	sadd.s32 $0x100, s28;
	[sflag:s21] =	ssyncadd.s32 $0xFFFFC000;
	(pc) =	sbr.rel @p0 .LBB2_2-.Ltmp0, $4  }
0x41: {  	[tilespmem:s17], [sflag:$0x1] =	stream.indirect.gather [hbm4b:s4+s16], $0x80, s29, s16, $0xb8;
	[tilespmem:$0x1E800] =	vst v63  }
0x42: {  	_ =	swait.ge [sflag:s22], $0x4000  }
0x43: {  	[sflag:s22] =	ssyncset.done $0x0  }
0x44: {  	s28 =	sadd.s32 $0x180, s28;
	[sflag:s22] =	ssyncadd.s32 $0xFFFFC000  }
0x45: {  	[tilespmem:s18], [sflag:$0x2] =	stream.indirect.gather [hbm4b:s4+s16], $0x80, s28, s16, $0xb8;
	[tilespmem:$0x1E800] =	vst v63  }
0x46: {  	_ =	swait.ge [sflag:s19], $0x4000  }
0x47: {  	[sflag:s19] =	ssyncset.done $0x0  }
0x48: {  	[sflag:s19] =	ssyncadd.s32 $0xFFFFC000  }
0x49: {  	[spmem:s2] =	stream.indirect.scatter.add.f32 [tilespmem:s17], [sflag:$0x3], $0x80, s23, s16, $0xb8;
	[tilespmem:$0x1E800] =	vst v63  }
0x4a: {  	_ =	swait.ge [sflag:s20], $0x4000  }
0x4b: {  	[sflag:s20] =	ssyncset.done $0x0  }
0x4c: {  	[sflag:s20] =	ssyncadd.s32 $0xFFFFC000  }
0x4d: {  	[spmem:s2] =	stream.indirect.scatter.add.f32 [tilespmem:s18], [sflag:$0x4], $0x80, s24, s16, $0xb8;
	[tilespmem:$0x1E800] =	vst v63  }
0x4e: {  	_ =	swait.ge [sflag:s21], $0x4000  }
0x4f: {  	[sflag:s21] =	ssyncset.done $0x0  }
0x50: {  	[sflag:s21] =	ssyncadd.s32 $0xFFFFC000  }
0x51: {  	_ =	swait.ge [sflag:s22], $0x4000  }
0x52: {  	[sflag:s22] =	ssyncset.done $0x0  }
0x53: {  	s26 =	simm.s32 $0x0;
	[sflag:s22] =	ssyncadd.s32 $0xFFFFC000  }
0x54: {  	[tilespmem:s26], [sflag:$0x5] =	stream.linear.gather [hbm4b:s9+s26], $0x1400, $0x38;
	[tilespmem:$0x1E800] =	vst v63  }
0x55: {  	_ =	swait.ge [sflag:s14], $0x1400  }
0x56: {  	[sflag:s14] =	ssyncset.done $0x0  }
0x57: {  	[sflag:s14] =	ssyncadd.s32 $0xFFFFEC00  }
0x58: {  	[tilespmem:s15], [sflag:$0x5] =	stream.linear.gather [hbm4b:s10+s26], $0x1400, $0x38;
	[tilespmem:$0x1E800] =	vst v63  }
0x59: {  	_ =	swait.ge [sflag:s14], $0x1400  }
0x5a: {  	[sflag:s14] =	ssyncset.done $0x0  }
0x5b: {  	[sflag:s14] =	ssyncadd.s32 $0xFFFFEC00  }
0x5c: {  	[tilespmem:s17], [sflag:$0x1] =	stream.indirect.gather [hbm4b:s4+s16], $0x80, s26, s16, $0xb8;
	[tilespmem:$0x1E800] =	vst v63  }
0x5d: {  	_ = 	snop  }
0x5e: {  	[tilespmem:s18], [sflag:$0x2] =	stream.indirect.gather [hbm4b:s4+s16], $0x80, s16, s16, $0xb8;
	[tilespmem:$0x1E800] =	vst v63  }
0x5f: {  	_ =	swait.ge [sflag:s19], $0x4000  }
0x60: {  	[sflag:s19] =	ssyncset.done $0x0  }
0x61: {  	s29 =	simm.s32 $0x1400;
	[sflag:s19] =	ssyncadd.s32 $0xFFFFC000  }
0x62: {  	[spmem:s2] =	stream.indirect.scatter.add.f32 [tilespmem:s17], [sflag:$0x3], $0x80, s29, s16, $0xb8;
	[tilespmem:$0x1E800] =	vst v63  }
0x63: {  	_ =	swait.ge [sflag:s20], $0x4000  }
0x64: {  	[sflag:s20] =	ssyncset.done $0x0  }
0x65: {  	s30 =	simm.s32 $0x1480;
	[sflag:s20] =	ssyncadd.s32 $0xFFFFC000  }
0x66: {  	[spmem:s2] =	stream.indirect.scatter.add.f32 [tilespmem:s18], [sflag:$0x4], $0x80, s30, s16, $0xb8;
	[tilespmem:$0x1E800] =	vst v63  }
0x67: {  	_ =	swait.ge [sflag:s21], $0x4000  }
0x68: {  	[sflag:s21] =	ssyncset.done $0x0  }
0x69: {  	s31 =	simm.s32 $0x100;
	[sflag:s21] =	ssyncadd.s32 $0xFFFFC000  }
0x6a: {  	[tilespmem:s17], [sflag:$0x1] =	stream.indirect.gather [hbm4b:s4+s16], $0x80, s31, s16, $0xb8;
	[tilespmem:$0x1E800] =	vst v63  }
0x6b: {  	_ =	swait.ge [sflag:s22], $0x4000  }
0x6c: {  	[sflag:s22] =	ssyncset.done $0x0  }
0x6d: {  	s28 =	simm.s32 $0x180;
	s26 =	simm.s32 $0x400;
	[sflag:s22] =	ssyncadd.s32 $0xFFFFC000  }
.LBB2_4:
0x6e: {  	[tilespmem:s18], [sflag:$0x2] =	stream.indirect.gather [hbm4b:s4+s16], $0x80, s28, s16, $0xb8;
	[tilespmem:$0x1E800] =	vst v63  }
0x6f: {  	s28 =	smov.u32 s26  }
0x70: {  	p0 =	sne.s32 s26, $0x4800;
	s26 =	sadd.s32 $0x400, s26;
	_ =	swait.ge [sflag:s19], $0x4000  }
0x71: {  	s28 =	sshra.s32 s28, $0x2;
	[sflag:s19] =	ssyncset.done $0x0  }
0x72: {  	s29 =	sadd.s32 $0x1400, s28;
	[sflag:s19] =	ssyncadd.s32 $0xFFFFC000  }
0x73: {  	[spmem:s2] =	stream.indirect.scatter.add.f32 [tilespmem:s17], [sflag:$0x3], $0x80, s29, s16, $0xb8;
	[tilespmem:$0x1E800] =	vst v63  }
0x74: {  	_ =	swait.ge [sflag:s20], $0x4000  }
0x75: {  	[sflag:s20] =	ssyncset.done $0x0  }
0x76: {  	s29 =	sadd.s32 $0x1480, s28;
	[sflag:s20] =	ssyncadd.s32 $0xFFFFC000  }
0x77: {  	[spmem:s2] =	stream.indirect.scatter.add.f32 [tilespmem:s18], [sflag:$0x4], $0x80, s29, s16, $0xb8;
	[tilespmem:$0x1E800] =	vst v63  }
0x78: {  	_ =	swait.ge [sflag:s21], $0x4000  }
0x79: {  	[sflag:s21] =	ssyncset.done $0x0  }
.Ltmp1:
0x7a: {  	s29 =	sadd.s32 $0x100, s28;
	[sflag:s21] =	ssyncadd.s32 $0xFFFFC000;
	(pc) =	sbr.rel @p0 .LBB2_4-.Ltmp1, $4  }
0x7b: {  	[tilespmem:s17], [sflag:$0x1] =	stream.indirect.gather [hbm4b:s4+s16], $0x80, s29, s16, $0xb8;
	[tilespmem:$0x1E800] =	vst v63  }
0x7c: {  	_ =	swait.ge [sflag:s22], $0x4000  }
0x7d: {  	[sflag:s22] =	ssyncset.done $0x0  }
0x7e: {  	s28 =	sadd.s32 $0x180, s28;
	[sflag:s22] =	ssyncadd.s32 $0xFFFFC000  }
0x7f: {  	[tilespmem:s18], [sflag:$0x2] =	stream.indirect.gather [hbm4b:s4+s16], $0x80, s28, s16, $0xb8;
	[tilespmem:$0x1E800] =	vst v63  }
0x80: {  	_ =	swait.ge [sflag:s19], $0x4000  }
0x81: {  	[sflag:s19] =	ssyncset.done $0x0  }
0x82: {  	[sflag:s19] =	ssyncadd.s32 $0xFFFFC000  }
0x83: {  	[spmem:s2] =	stream.indirect.scatter.add.f32 [tilespmem:s17], [sflag:$0x3], $0x80, s23, s16, $0xb8;
	[tilespmem:$0x1E800] =	vst v63  }
0x84: {  	_ =	swait.ge [sflag:s20], $0x4000  }
0x85: {  	[sflag:s20] =	ssyncset.done $0x0  }
0x86: {  	[sflag:s20] =	ssyncadd.s32 $0xFFFFC000  }
0x87: {  	[spmem:s2] =	stream.indirect.scatter.add.f32 [tilespmem:s18], [sflag:$0x4], $0x80, s24, s16, $0xb8;
	[tilespmem:$0x1E800] =	vst v63  }
0x88: {  	_ =	swait.ge [sflag:s21], $0x4000  }
0x89: {  	[sflag:s21] =	ssyncset.done $0x0  }
0x8a: {  	[sflag:s21] =	ssyncadd.s32 $0xFFFFC000  }
0x8b: {  	_ =	swait.ge [sflag:s22], $0x4000  }
0x8c: {  	s25 =	sadd.s32 $0x1, s25;
	[sflag:s22] =	ssyncset.done $0x0  }
0x8d: {  	p0 =	sne.s32 s25, s12;
	[sflag:s22] =	ssyncadd.s32 $0xFFFFC000  }
.Ltmp2:
0x8e: {  	[bflag:$0x0] =	sbarrier.arrive $0xFFFF;
	(pc) =	sbr.rel @p0 .LBB2_1-.Ltmp2, $4  }
0x8f: {  	[hbm:s11], [sflag:s6] =	dma.local [spmem:s13], $0x2800  }
0x90: {  	_ =	swait.ge [sflag:s14], $0x2800  }
0x91: {  	[sflag:s14] =	ssyncset.done $0x0  }
0x92: {  	[sflag:s14] =	ssyncadd.s32 $0xFFFFD800  }
0x93: {  	_ =	sfence.sel $0x180000  }
0x94: {  	[bflag:$0x0] =	sbarrier.arrive $0xFFFF  }
0x95: {  	p0 =	sne.s32 s0, $0x0;
	_ =	strace $0x9000004A  }
0x96: {  	s0 =	sadd.s32 @!p0 $0x100000, s1;
	[bflag:$0x2] =	sbarrier.arrive $0xFFFF  }
0x97: {  	[sflag:s0] =	ssyncadd.tile.s32 @!p0 $0x1;
	_ =	shalt  }
.Lfunc_end2:
_tile_overlayer_lowered:
.L_overlay_start_2:
0x98: {  	(tag) =	ssettag $0x2  }
0x99: {  	s0 =	rddreg [dreg:$0x0];
	s2 =	stileid.u32  }
0x9a: {  	s1 =	rddreg [dreg:$0x1];
	p0 =	sne.s32 s2, $0x0  }
0x9b: {  	s3 =	rddreg [dreg:$0x2];
	[bflag:$0x3] =	sbarrier.arrive $0xFFFF;
	s2 =	simm.s32 @!p0 $0x1C05  }
0x9c: {  	[timem:s3], [sflag:s2] =	dma.local @!p0 [hbm:s0], s1  }
0x9d: {  	s0 =	simm.s32 @!p0 $0x5  }
0x9e: {  	_ =	swait.ge @!p0 [sflag:s0], s1  }
0x9f: {  	s1 =	ssub.s32 @!p0 $0x0, s1;
	[sflag:s0] =	ssyncset.done @!p0 $0x0  }
0xa0: {  	[sflag:s0] =	ssyncadd.s32 @!p0 s1  }
0xa1: {  	[bflag:$0x3] =	sbarrier.arrive $0xFFFF  }
0xa2: {  	_ =	shalt  }

// kernel: kernel.14.cloned.1.call-start
scs
__scs_entry_jumppad:
0x0: {  	(pc) =	sbr.rel $0x88, $3  }
0x1: {  	(tag) =	ssettag $0x0;
	lr =	simm.s32 $0x1  }
0x2: {  	[smem:$0x3F97] =	sst lr;
	_ =	strace $0xD0000000  }
0x3: {  	_ = 	snop  }
0x4: {  	_ = 	snop  }
0x5: {  	_ = 	snop  }
0x6: {  	_ = 	snop  }
0x7: {  	_ = 	snop  }
__scs_overlays_trampoline_lowered:
0x8: {  	[smem:$0x3FA6] =	sst s0  }
0x9: {  	[smem:$0x3FA7] =	sst s1  }
0xa: {  	[smem:$0x3FA8] =	sst s2  }
0xb: {  	[smem:$0x3FA9] =	sst s3  }
0xc: {  	[smem:$0x3FAA] =	sst s4  }
0xd: {  	[smem:$0x3FAB] =	sst s5  }
0xe: {  	[smem:$0x3FAC] =	sst s6  }
0xf: {  	[smem:$0x3FAD] =	sst s7  }
0x10: {  	[smem:$0x3FAE] =	sst s8  }
0x11: {  	[smem:$0x3FAF] =	sst s9;
	s0 =	simm.s32 @!p0 $0x0  }
0x12: {  	s1 =	sld [smem:$0x3F95];
	s0 =	simm.s32 @p0 $0x1  }
0x13: {  	[smem:$0x3FB0] =	sst s0;
	s0 =	simm.s32 @!p1 $0x0  }
0x14: {  	s2 =	sld [smem:$0x3F94];
	s0 =	simm.s32 @p1 $0x1  }
0x15: {  	[smem:$0x3FB1] =	sst s0;
	s0 =	simm.s32 @!p2 $0x0  }
0x16: {  	s3 =	sld [smem:$0x3FDB];
	s0 =	simm.s32 @p2 $0x1  }
0x17: {  	s4 =	simm.s32 $0x1BF5;
	[smem:$0x3FB3] =	sst s0  }
0x18: {  	s0 =	sld [smem:$0x3F96];
	_ =	swait.ge [sflag:s4], $0x0  }
0x19: {  	s7 =	sld [smem:$0x3F97]  }
0x1a: {  	s8 =	sadd.s32 $0xFFFFE003, lr  }
0x1b: {  	s9 =	sadd.s32 $0xFFFFFEF7, lr;
	s5 =	simm.s32 $0xFFFFFFFF;
	p2 =	slt.u32 s8, $0xFFFFF086  }
0x1c: {  	p1 =	slt.u32 s9, $0xF7A;
	s5 =	simm.s32 @!p2 $0x0  }
0x1d: {  	s5 =	simm.s32 @p1 $0x1;
	p0 =	seq.s32 s7, s2  }
0x1e: {  	s7 =	smul.u32 @!p0 $0xF7A, s2;
	p2 =	seq.s32 @!p0 s5, $0x0  }
0x1f: {  	s9 =	smul.u32 $0xF7A, s1;
	s8 =	simm.s32 @!p0 $0x1BF5;
	p2 =	por !p2, p0  }
0x20: {  	[sflag:s8] =	ssyncset.s32 @!p0 $0xFFFFF086;
	s6 =	sadd.s32 @!p0 s3, s7;
	s7 =	simm.s32 @!p0 $0x108  }
0x21: {  	s3 =	sadd.s32 s3, s9;
	s6 =	sadd.s32 @!p0 $0x88, s6;
	s7 =	simm.s32 @p2 $0x1082  }
0x22: {  	[simem:s7], [sflag:s8] =	dma.local @!p0 [hbm:s6], $0xF7A  }
0x23: {  	s9 =	sor.u32 $0xD0000000, s2;
	s6 =	simm.s32 $0x108;
	_ =	swait.ge @!p0 [sflag:s8], $0x0  }
0x24: {  	s3 =	sadd.s32 $0x88, s3;
	s6 =	simm.s32 @!p1 $0x1082;
	[sflag:s4] =	ssyncset.s32 $0xFFFFF086  }
0x25: {  	[simem:s6], [sflag:s4] =	dma.local [hbm:s3], $0xF7A  }
0x26: {  	[smem:$0x3F97] =	sst s1;
	(tag) =	ssettag s2;
	_ =	strace s9  }
0x27: {  	s1 =	sld [smem:$0x3FA7]  }
0x28: {  	s2 =	sld [smem:$0x3FA8]  }
0x29: {  	s4 =	sld [smem:$0x3FAA]  }
0x2a: {  	p0 =	seq.s32 s5, $0x0;
	s5 =	sld [smem:$0x3FAB]  }
0x2b: {  	s6 =	sld [smem:$0x3FAC]  }
0x2c: {  	s7 =	sld [smem:$0x3FAD]  }
0x2d: {  	s3 =	simm.s32 $0x108;
	s8 =	sld [smem:$0x3FAE]  }
0x2e: {  	s3 =	simm.s32 @!p0 $0x1082;
	s9 =	sld [smem:$0x3FAF]  }
0x2f: {  	lr =	sadd.s32 s0, s3;
	s0 =	sld [smem:$0x3FA6]  }
0x30: {  	s3 =	sld [smem:$0x3FA9]  }
0x31: {  	[smem:$0x3FB2] =	sst s10  }
0x32: {  	s10 =	sld [smem:$0x3FB0];
	_ =	sdelay $0x3  }
0x33: {  	p0 =	seq.s32 s10, $0x1;
	s10 =	sld [smem:$0x3FB2];
	_ =	sdelay $0x3  }
0x34: {  	[smem:$0x3FB2] =	sst s10  }
0x35: {  	s10 =	sld [smem:$0x3FB1];
	_ =	sdelay $0x3  }
0x36: {  	p1 =	seq.s32 s10, $0x1;
	s10 =	sld [smem:$0x3FB2];
	_ =	sdelay $0x3  }
0x37: {  	[smem:$0x3FB2] =	sst s10  }
0x38: {  	s10 =	sld [smem:$0x3FB3]  }
0x39: {  	_ = 	snop;
	(pc) =	sbr.ind lr, $3  }
0x3a: {  	_ = 	snop  }
0x3b: {  	_ = 	snop  }
0x3c: {  	p2 =	seq.s32 s10, $0x1;
	s10 =	sld [smem:$0x3FB2]  }
0x3d: {  	_ =	shalt  }
0x3e: {  	_ =	shalt  }
0x3f: {  	_ =	shalt  }
0x40: {  	_ =	shalt  }
0x41: {  	_ =	shalt  }
0x42: {  	_ =	shalt  }
0x43: {  	_ =	shalt  }
0x44: {  	_ =	shalt  }
0x45: {  	_ =	shalt  }
0x46: {  	_ =	shalt  }
0x47: {  	_ =	shalt  }
0x48: {  	_ =	shalt  }
0x49: {  	_ =	shalt  }
0x4a: {  	_ =	shalt  }
0x4b: {  	_ =	shalt  }
0x4c: {  	_ =	shalt  }
0x4d: {  	_ =	shalt  }
0x4e: {  	_ =	shalt  }
0x4f: {  	_ =	shalt  }
0x50: {  	_ =	shalt  }
0x51: {  	_ =	shalt  }
0x52: {  	_ =	shalt  }
0x53: {  	_ =	shalt  }
0x54: {  	_ =	shalt  }
0x55: {  	_ =	shalt  }
0x56: {  	_ =	shalt  }
0x57: {  	_ =	shalt  }
0x58: {  	_ =	shalt  }
0x59: {  	_ =	shalt  }
0x5a: {  	_ =	shalt  }
0x5b: {  	_ =	shalt  }
0x5c: {  	_ =	shalt  }
0x5d: {  	_ =	shalt  }
0x5e: {  	_ =	shalt  }
0x5f: {  	_ =	shalt  }
0x60: {  	_ =	shalt  }
0x61: {  	_ =	shalt  }
0x62: {  	_ =	shalt  }
0x63: {  	_ =	shalt  }
0x64: {  	_ =	shalt  }
0x65: {  	_ =	shalt  }
0x66: {  	_ =	shalt  }
0x67: {  	_ =	shalt  }
0x68: {  	_ =	shalt  }
0x69: {  	_ =	shalt  }
0x6a: {  	_ =	shalt  }
0x6b: {  	_ =	shalt  }
0x6c: {  	_ =	shalt  }
0x6d: {  	_ =	shalt  }
0x6e: {  	_ =	shalt  }
0x6f: {  	_ =	shalt  }
0x70: {  	_ =	shalt  }
0x71: {  	_ =	shalt  }
0x72: {  	_ =	shalt  }
0x73: {  	_ =	shalt  }
0x74: {  	_ =	shalt  }
0x75: {  	_ =	shalt  }
0x76: {  	_ =	shalt  }
0x77: {  	_ =	shalt  }
0x78: {  	_ =	shalt  }
0x79: {  	_ =	shalt  }
0x7a: {  	_ =	shalt  }
0x7b: {  	_ =	shalt  }
0x7c: {  	_ =	shalt  }
0x7d: {  	_ =	shalt  }
0x7e: {  	_ =	shalt  }
0x7f: {  	_ =	shalt  }
0x80: {  	_ =	shalt  }
0x81: {  	_ =	shalt  }
0x82: {  	_ =	shalt  }
0x83: {  	_ =	shalt  }
0x84: {  	_ =	shalt  }
0x85: {  	_ =	shalt  }
0x86: {  	_ =	shalt  }
0x87: {  	_ =	shalt  }
.Lfunc_end0:
.L_simem_size_0:
called_computation.2_lowered:
.L_overlay_start_0:
0x88: {  	s2 =	sld [smem:$0x3FD9]  }
0x89: {  	s3 =	sld [smem:$0x3FFE];
	_ =	sdelay $0x1  }
0x8a: {  	s1 =	srdreg.scid  }
0x8b: {  	s0 =	sand.u32 $0x1, s1  }
0x8c: {  	s14 =	sshll.u32 s0, $0xA;
	s2 =	sadd.s32 s3, s2  }
0x8d: {  	s2 =	sadd.s32 s2, s14  }
0x8e: {  	[smem:$0x3FBE] =	sst s2  }
0x8f: {  	_ = 	snop  }
0x90: {  	s2 =	sld [smem:$0x3FD0];
	_ =	sdelay $0x2  }
0x91: {  	s15 =	simm.s32 $0xA;
	s4 =	simm.s32 $0x10  }
0x92: {  	[smem:s4], [sflag:s15] =	dma.local [hbm:s2], $0x1  }
0x93: {  	_ =	swait.eq [sflag:s15], $0x1  }
0x94: {  	[sflag:s15] =	ssyncset.done $0x0  }
0x95: {  	s16 =	sld [smem:$0x10];
	[sflag:s15] =	ssyncadd.s32 $0xFFFFFFFF  }
0x96: {  	s17 =	sld [smem:$0x11];
	(tm) =	ssettm $0x1  }
0x97: {  	s18 =	sld [smem:$0x3FFB];
	_ =	sdelay $0x3  }
0x98: {  	_ =	strace s18  }
0x99: {  	s4 =	sld [smem:$0x3FFC];
	_ =	sdelay $0x3  }
0x9a: {  	_ =	strace s4  }
0x9b: {  	s4 =	sld [smem:$0x3FFD];
	_ =	sdelay $0x3  }
0x9c: {  	_ =	strace s4  }
0x9d: {  	_ =	strace $0x8FFFFFFF  }
0x9e: {  	s19 =	sld [smem:$0x3FDB];
	_ =	sdelay $0x1  }
0x9f: {  	s5 =	simm.s32 $_scs_section_size  }
0xa0: {  	s6 =	simm.s32 $_size__tile_overlayer_lowered;
	s7 =	simm.s32 $_tile_overlayer_lowered  }
0xa1: {  	s22 =	simm.s32 $0x1BFF;
	s21 =	sshll.u32 s7, $0x1;
	s4 =	sadd.s32 s5, s19  }
0xa2: {  	s8 =	simm.s32 $0x0;
	s20 =	sshll.u32 s6, $0x1;
	s6 =	sadd.s32 s21, s4  }
0xa3: {  	[timem:s8], [sflag:s22] =	dma.local [hbm:s6], s20  }
0xa4: {  	_ =	swait.ge [sflag:s22], s20  }
0xa5: {  	s5 =	ssub.s32 $0x0, s20;
	[sflag:s22] =	ssyncset.done $0x0  }
0xa6: {  	[sflag:s22] =	ssyncadd.s32 s5;
	_ =	sdelay $0x1  }
0xa7: {  	s23 =	simm.s32 $0x1B8B  }
0xa8: {  	_ =	swait.ge [sflag:s23], $0x1  }
0xa9: {  	[sflag:s23] =	ssyncset.done $0x0  }
0xaa: {  	s25 =	simm.s32 $0x1B8E;
	s24 =	sld [smem:$0x3FFE];
	[sflag:s23] =	ssyncadd.s32 $0xFFFFFFFF  }
0xab: {  	s26 =	simm.s32 $execute0_lowered;
	[smem:$0x3FD2] =	sst s25  }
0xac: {  	s6 =	sshll.u32 s26, $0x1;
	_ =	strace $0x8000004C;
	[dreg:$0x1] =	wrdreg $0xFFFFFFFF  }
0xad: {  	s28 =	simm.s32 $_size_execute0_lowered;
	s4 =	sadd.s32 s4, s6;
	[dreg:$0x0] =	wrdreg $0x0  }
0xae: {  	s6 =	sshll.u32 s28, $0x1;
	[dreg:$0x2] =	wrdreg s4  }
0xaf: {  	[dreg:$0x3] =	wrdreg s6  }
0xb0: {  	[dreg:$0x4] =	wrdreg $0xC0  }
0xb1: {  	_ =	task [dreg:s8], $0x5FFFF  }
0xb2: {  	[dreg:$0x1] =	wrdreg $0xFFFFFFFF  }
0xb3: {  	[dreg:$0x0] =	wrdreg $0x60  }
0xb4: {  	[dreg:$0x2] =	wrdreg s16  }
0xb5: {  	[dreg:$0x3] =	wrdreg s17  }
0xb6: {  	[dreg:$0x4] =	wrdreg s24  }
0xb7: {  	[dreg:$0x5] =	wrdreg $0xA8000  }
0xb8: {  	[dreg:$0x6] =	wrdreg $0x9  }
0xb9: {  	_ =	task.clear_ibuf [dreg:s8], $0x7FFFF;
	_ =	strace $0x9000004C  }
0xba: {  	s29 =	simm.s32 $0x9;
	_ =	strace $0x8000004E  }
0xbb: {  	_ =	swait.ge [sflag:s29], $0x1  }
0xbc: {  	[sflag:s29] =	ssyncadd.s32 $0xFFFFFFFF  }
0xbd: {  	_ =	strace $0x9000004E  }
0xbe: {  	_ =	sfence  }
0xbf: {  	s30 =	sld [smem:$0x0];
	_ =	sdelay $0x2  }
0xc0: {  	s31 =	sshll.u32 s1, $0xD;
	s1 =	sshrl.u32 s1, $0x2  }
0xc1: {  	s3 =	sand.u32 $0x4000, s31;
	s1 =	sadd.s32 s1, s30  }
0xc2: {  	s0 =	sor.u32 s3, s0;
	s1 =	sshll.u32 s1, $0x11  }
0xc3: {  	s0 =	sor.u32 s1, s0  }
0xc4: {  	s0 =	sadd.s32 $0x8F2B, s0  }
0xc5: {  	[sflag:s0] =	ssyncadd.remote.s32 $0x1  }
0xc6: {  	_ =	sfence.sel $0xFFFF  }
0xc7: {  	[dreg:$0x0] =	wrdreg $0xFFFFFFFF;
	(pc) =	sbr.abs _section_cstart, $3  }
0xc8: {  	[dreg:$0x1] =	wrdreg $0xFFFFFFFF  }
0xc9: {  	_ =	task.clear_ibuf [dreg:s8], $0x2FFFF;
	_ =	strace $0x9FFFFFFF  }
0xca: {  	(tm) =	ssettm $0x7FFFFFFF  }
0xcb: {  	_ =	shalt  }
tec
execute0_lowered:
.L_overlay_start_1:
0x0: {  	(tag) =	ssettag $0x1  }
0x1: {  	s9 =	rddreg [dreg:$0x0]  }
0x2: {  	s10 =	rddreg [dreg:$0x1]  }
0x3: {  	s5 =	rddreg [dreg:$0x2]  }
0x4: {  	s2 =	rddreg [dreg:$0x3];
	s0 =	stileid.u32  }
0x5: {  	s4 =	srdreg.scid;
	s1 =	rddreg [dreg:$0x4]  }
0x6: {  	s3 =	simm.s32 $0x0;
	s16 =	simm.s32 $0x80;
	s17 =	simm.s32 $0x2800  }
0x7: {  	s18 =	simm.s32 $0x6800;
	s19 =	simm.s32 $0x1;
	s20 =	simm.s32 $0x2  }
0x8: {  	s21 =	simm.s32 $0x3;
	s22 =	simm.s32 $0x4;
	s23 =	simm.s32 $0x2700  }
0x9: {  	s24 =	simm.s32 $0x2780;
	s25 =	simm.s32 $0x0;
	s6 =	smul.u32 $0x14000, s0  }
0xa: {  	s7 =	sand.u32 $0x1, s4;
	[smem:$0x7FF] =	sst s3;
	s28 =	smul.u32 $0x50000, s0  }
0xb: {  	s4 =	sadd.s32 $0x7BE00, s5;
	s29 =	sshll.u32 s0, $0x6;
	s11 =	smul.u32 $0x140000, s7  }
0xc: {  	_ =	strace $0x8000004D;
	s12 =	sshll.u32 s7, $0x4;
	s7 =	ssub.s32 $0x2, s7  }
0xd: {  	s8 =	sshrl.u32 s6, $0x3;
	s12 =	sor.u32 s0, s12;
	s13 =	sshrl.u32 s7, $0x1  }
0xe: {  	s8 =	sadd.s32 s8, s5;
	s6 =	sadd.s32 s6, s11;
	s11 =	sshrl.u32 s28, $0x2  }
0xf: {  	s12 =	smul.u32 $0x2800, s12;
	s13 =	ssub.s32 s7, s13;
	s6 =	sshrl.u32 s6, $0x3  }
0x10: {  	s15 =	sadd.s32 s11, s2;
	s14 =	sadd.s32 s6, s5;
	s5 =	sadd.s32 $0x3E00, s8  }
0x11: {  	s30 =	sshrl.u32 s12, $0x3;
	s6 =	sor.u32 $0x1C05, s29;
	s12 =	smax.u32 s13, $0x1  }
0x12: {  	s13 =	sshrl.u32 s15, $0x3;
	s15 =	simm.s32 $0x1400;
	s7 =	sadd.s32 s9, s30  }
0x13: {  	s31 =	sadd.s32 $0x280, s30;
	s8 =	sadd.s32 s10, s30;
	s11 =	sadd.s32 $0xA3E00, s14  }
0x14: {  	s14 =	simm.s32 $0x5;
	s9 =	sadd.s32 s9, s31;
	s10 =	sadd.s32 s10, s31  }
.LBB2_1:
0x15: {  	[spmem:s13], [sflag:s6] =	dma.local [hbm:s5], $0x2800  }
0x16: {  	_ =	swait.ge [sflag:s14], $0x2800  }
0x17: {  	[sflag:s14] =	ssyncset.done $0x0  }
0x18: {  	[sflag:s14] =	ssyncadd.s32 $0xFFFFD800  }
0x19: {  	[bflag:$0x0] =	sbarrier.arrive $0xFFFF  }
0x1a: {  	[tilespmem:s3], [sflag:$0x5] =	stream.linear.gather [hbm4b:s7+s3], $0x1400, $0x38;
	[tilespmem:$0x1E800] =	vst v63  }
0x1b: {  	_ =	swait.ge [sflag:s14], $0x1400  }
0x1c: {  	[sflag:s14] =	ssyncset.done $0x0  }
0x1d: {  	[sflag:s14] =	ssyncadd.s32 $0xFFFFEC00  }
0x1e: {  	[tilespmem:s15], [sflag:$0x5] =	stream.linear.gather [hbm4b:s8+s3], $0x1400, $0x38;
	[tilespmem:$0x1E800] =	vst v63  }
0x1f: {  	_ =	swait.ge [sflag:s14], $0x1400  }
0x20: {  	[sflag:s14] =	ssyncset.done $0x0  }
0x21: {  	[sflag:s14] =	ssyncadd.s32 $0xFFFFEC00  }
0x22: {  	[tilespmem:s17], [sflag:$0x1] =	stream.indirect.gather [hbm4b:s4+s16], $0x80, s3, s16, $0xb8;
	[tilespmem:$0x1E800] =	vst v63  }
0x23: {  	_ = 	snop  }
0x24: {  	[tilespmem:s18], [sflag:$0x2] =	stream.indirect.gather [hbm4b:s4+s16], $0x80, s16, s16, $0xb8;
	[tilespmem:$0x1E800] =	vst v63  }
0x25: {  	_ =	swait.ge [sflag:s19], $0x4000  }
0x26: {  	[sflag:s19] =	ssyncset.done $0x0  }
0x27: {  	s26 =	simm.s32 $0x1400;
	[sflag:s19] =	ssyncadd.s32 $0xFFFFC000  }
0x28: {  	[spmem:s2] =	stream.indirect.scatter.add.f32 [tilespmem:s17], [sflag:$0x3], $0x80, s26, s16, $0xb8;
	[tilespmem:$0x1E800] =	vst v63  }
0x29: {  	_ =	swait.ge [sflag:s20], $0x4000  }
0x2a: {  	[sflag:s20] =	ssyncset.done $0x0  }
0x2b: {  	s30 =	simm.s32 $0x1480;
	[sflag:s20] =	ssyncadd.s32 $0xFFFFC000  }
0x2c: {  	[spmem:s2] =	stream.indirect.scatter.add.f32 [tilespmem:s18], [sflag:$0x4], $0x80, s30, s16, $0xb8;
	[tilespmem:$0x1E800] =	vst v63  }
0x2d: {  	_ =	swait.ge [sflag:s21], $0x4000  }
0x2e: {  	[sflag:s21] =	ssyncset.done $0x0  }
0x2f: {  	s31 =	simm.s32 $0x100;
	[sflag:s21] =	ssyncadd.s32 $0xFFFFC000  }
0x30: {  	[tilespmem:s17], [sflag:$0x1] =	stream.indirect.gather [hbm4b:s4+s16], $0x80, s31, s16, $0xb8;
	[tilespmem:$0x1E800] =	vst v63  }
0x31: {  	_ =	swait.ge [sflag:s22], $0x4000  }
0x32: {  	[sflag:s22] =	ssyncset.done $0x0  }
0x33: {  	s28 =	simm.s32 $0x180;
	s26 =	simm.s32 $0x400;
	[sflag:s22] =	ssyncadd.s32 $0xFFFFC000  }
.LBB2_2:
0x34: {  	[tilespmem:s18], [sflag:$0x2] =	stream.indirect.gather [hbm4b:s4+s16], $0x80, s28, s16, $0xb8;
	[tilespmem:$0x1E800] =	vst v63  }
0x35: {  	s28 =	smov.u32 s26  }
0x36: {  	p0 =	sne.s32 s26, $0x4800;
	s26 =	sadd.s32 $0x400, s26;
	_ =	swait.ge [sflag:s19], $0x4000  }
0x37: {  	s28 =	sshra.s32 s28, $0x2;
	[sflag:s19] =	ssyncset.done $0x0  }
0x38: {  	s29 =	sadd.s32 $0x1400, s28;
	[sflag:s19] =	ssyncadd.s32 $0xFFFFC000  }
0x39: {  	[spmem:s2] =	stream.indirect.scatter.add.f32 [tilespmem:s17], [sflag:$0x3], $0x80, s29, s16, $0xb8;
	[tilespmem:$0x1E800] =	vst v63  }
0x3a: {  	_ =	swait.ge [sflag:s20], $0x4000  }
0x3b: {  	[sflag:s20] =	ssyncset.done $0x0  }
0x3c: {  	s29 =	sadd.s32 $0x1480, s28;
	[sflag:s20] =	ssyncadd.s32 $0xFFFFC000  }
0x3d: {  	[spmem:s2] =	stream.indirect.scatter.add.f32 [tilespmem:s18], [sflag:$0x4], $0x80, s29, s16, $0xb8;
	[tilespmem:$0x1E800] =	vst v63  }
0x3e: {  	_ =	swait.ge [sflag:s21], $0x4000  }
0x3f: {  	[sflag:s21] =	ssyncset.done $0x0  }
.Ltmp0:
0x40: {  	s29 =	sadd.s32 $0x100, s28;
	[sflag:s21] =	ssyncadd.s32 $0xFFFFC000;
	(pc) =	sbr.rel @p0 .LBB2_2-.Ltmp0, $4  }
0x41: {  	[tilespmem:s17], [sflag:$0x1] =	stream.indirect.gather [hbm4b:s4+s16], $0x80, s29, s16, $0xb8;
	[tilespmem:$0x1E800] =	vst v63  }
0x42: {  	_ =	swait.ge [sflag:s22], $0x4000  }
0x43: {  	[sflag:s22] =	ssyncset.done $0x0  }
0x44: {  	s28 =	sadd.s32 $0x180, s28;
	[sflag:s22] =	ssyncadd.s32 $0xFFFFC000  }
0x45: {  	[tilespmem:s18], [sflag:$0x2] =	stream.indirect.gather [hbm4b:s4+s16], $0x80, s28, s16, $0xb8;
	[tilespmem:$0x1E800] =	vst v63  }
0x46: {  	_ =	swait.ge [sflag:s19], $0x4000  }
0x47: {  	[sflag:s19] =	ssyncset.done $0x0  }
0x48: {  	[sflag:s19] =	ssyncadd.s32 $0xFFFFC000  }
0x49: {  	[spmem:s2] =	stream.indirect.scatter.add.f32 [tilespmem:s17], [sflag:$0x3], $0x80, s23, s16, $0xb8;
	[tilespmem:$0x1E800] =	vst v63  }
0x4a: {  	_ =	swait.ge [sflag:s20], $0x4000  }
0x4b: {  	[sflag:s20] =	ssyncset.done $0x0  }
0x4c: {  	[sflag:s20] =	ssyncadd.s32 $0xFFFFC000  }
0x4d: {  	[spmem:s2] =	stream.indirect.scatter.add.f32 [tilespmem:s18], [sflag:$0x4], $0x80, s24, s16, $0xb8;
	[tilespmem:$0x1E800] =	vst v63  }
0x4e: {  	_ =	swait.ge [sflag:s21], $0x4000  }
0x4f: {  	[sflag:s21] =	ssyncset.done $0x0  }
0x50: {  	[sflag:s21] =	ssyncadd.s32 $0xFFFFC000  }
0x51: {  	_ =	swait.ge [sflag:s22], $0x4000  }
0x52: {  	[sflag:s22] =	ssyncset.done $0x0  }
0x53: {  	s26 =	simm.s32 $0x0;
	[sflag:s22] =	ssyncadd.s32 $0xFFFFC000  }
0x54: {  	[tilespmem:s26], [sflag:$0x5] =	stream.linear.gather [hbm4b:s9+s26], $0x1400, $0x38;
	[tilespmem:$0x1E800] =	vst v63  }
0x55: {  	_ =	swait.ge [sflag:s14], $0x1400  }
0x56: {  	[sflag:s14] =	ssyncset.done $0x0  }
0x57: {  	[sflag:s14] =	ssyncadd.s32 $0xFFFFEC00  }
0x58: {  	[tilespmem:s15], [sflag:$0x5] =	stream.linear.gather [hbm4b:s10+s26], $0x1400, $0x38;
	[tilespmem:$0x1E800] =	vst v63  }
0x59: {  	_ =	swait.ge [sflag:s14], $0x1400  }
0x5a: {  	[sflag:s14] =	ssyncset.done $0x0  }
0x5b: {  	[sflag:s14] =	ssyncadd.s32 $0xFFFFEC00  }
0x5c: {  	[tilespmem:s17], [sflag:$0x1] =	stream.indirect.gather [hbm4b:s4+s16], $0x80, s26, s16, $0xb8;
	[tilespmem:$0x1E800] =	vst v63  }
0x5d: {  	_ = 	snop  }
0x5e: {  	[tilespmem:s18], [sflag:$0x2] =	stream.indirect.gather [hbm4b:s4+s16], $0x80, s16, s16, $0xb8;
	[tilespmem:$0x1E800] =	vst v63  }
0x5f: {  	_ =	swait.ge [sflag:s19], $0x4000  }
0x60: {  	[sflag:s19] =	ssyncset.done $0x0  }
0x61: {  	s29 =	simm.s32 $0x1400;
	[sflag:s19] =	ssyncadd.s32 $0xFFFFC000  }
0x62: {  	[spmem:s2] =	stream.indirect.scatter.add.f32 [tilespmem:s17], [sflag:$0x3], $0x80, s29, s16, $0xb8;
	[tilespmem:$0x1E800] =	vst v63  }
0x63: {  	_ =	swait.ge [sflag:s20], $0x4000  }
0x64: {  	[sflag:s20] =	ssyncset.done $0x0  }
0x65: {  	s30 =	simm.s32 $0x1480;
	[sflag:s20] =	ssyncadd.s32 $0xFFFFC000  }
0x66: {  	[spmem:s2] =	stream.indirect.scatter.add.f32 [tilespmem:s18], [sflag:$0x4], $0x80, s30, s16, $0xb8;
	[tilespmem:$0x1E800] =	vst v63  }
0x67: {  	_ =	swait.ge [sflag:s21], $0x4000  }
0x68: {  	[sflag:s21] =	ssyncset.done $0x0  }
0x69: {  	s31 =	simm.s32 $0x100;
	[sflag:s21] =	ssyncadd.s32 $0xFFFFC000  }
0x6a: {  	[tilespmem:s17], [sflag:$0x1] =	stream.indirect.gather [hbm4b:s4+s16], $0x80, s31, s16, $0xb8;
	[tilespmem:$0x1E800] =	vst v63  }
0x6b: {  	_ =	swait.ge [sflag:s22], $0x4000  }
0x6c: {  	[sflag:s22] =	ssyncset.done $0x0  }
0x6d: {  	s28 =	simm.s32 $0x180;
	s26 =	simm.s32 $0x400;
	[sflag:s22] =	ssyncadd.s32 $0xFFFFC000  }
.LBB2_4:
0x6e: {  	[tilespmem:s18], [sflag:$0x2] =	stream.indirect.gather [hbm4b:s4+s16], $0x80, s28, s16, $0xb8;
	[tilespmem:$0x1E800] =	vst v63  }
0x6f: {  	s28 =	smov.u32 s26  }
0x70: {  	p0 =	sne.s32 s26, $0x4800;
	s26 =	sadd.s32 $0x400, s26;
	_ =	swait.ge [sflag:s19], $0x4000  }
0x71: {  	s28 =	sshra.s32 s28, $0x2;
	[sflag:s19] =	ssyncset.done $0x0  }
0x72: {  	s29 =	sadd.s32 $0x1400, s28;
	[sflag:s19] =	ssyncadd.s32 $0xFFFFC000  }
0x73: {  	[spmem:s2] =	stream.indirect.scatter.add.f32 [tilespmem:s17], [sflag:$0x3], $0x80, s29, s16, $0xb8;
	[tilespmem:$0x1E800] =	vst v63  }
0x74: {  	_ =	swait.ge [sflag:s20], $0x4000  }
0x75: {  	[sflag:s20] =	ssyncset.done $0x0  }
0x76: {  	s29 =	sadd.s32 $0x1480, s28;
	[sflag:s20] =	ssyncadd.s32 $0xFFFFC000  }
0x77: {  	[spmem:s2] =	stream.indirect.scatter.add.f32 [tilespmem:s18], [sflag:$0x4], $0x80, s29, s16, $0xb8;
	[tilespmem:$0x1E800] =	vst v63  }
0x78: {  	_ =	swait.ge [sflag:s21], $0x4000  }
0x79: {  	[sflag:s21] =	ssyncset.done $0x0  }
.Ltmp1:
0x7a: {  	s29 =	sadd.s32 $0x100, s28;
	[sflag:s21] =	ssyncadd.s32 $0xFFFFC000;
	(pc) =	sbr.rel @p0 .LBB2_4-.Ltmp1, $4  }
0x7b: {  	[tilespmem:s17], [sflag:$0x1] =	stream.indirect.gather [hbm4b:s4+s16], $0x80, s29, s16, $0xb8;
	[tilespmem:$0x1E800] =	vst v63  }
0x7c: {  	_ =	swait.ge [sflag:s22], $0x4000  }
0x7d: {  	[sflag:s22] =	ssyncset.done $0x0  }
0x7e: {  	s28 =	sadd.s32 $0x180, s28;
	[sflag:s22] =	ssyncadd.s32 $0xFFFFC000  }
0x7f: {  	[tilespmem:s18], [sflag:$0x2] =	stream.indirect.gather [hbm4b:s4+s16], $0x80, s28, s16, $0xb8;
	[tilespmem:$0x1E800] =	vst v63  }
0x80: {  	_ =	swait.ge [sflag:s19], $0x4000  }
0x81: {  	[sflag:s19] =	ssyncset.done $0x0  }
0x82: {  	[sflag:s19] =	ssyncadd.s32 $0xFFFFC000  }
0x83: {  	[spmem:s2] =	stream.indirect.scatter.add.f32 [tilespmem:s17], [sflag:$0x3], $0x80, s23, s16, $0xb8;
	[tilespmem:$0x1E800] =	vst v63  }
0x84: {  	_ =	swait.ge [sflag:s20], $0x4000  }
0x85: {  	[sflag:s20] =	ssyncset.done $0x0  }
0x86: {  	[sflag:s20] =	ssyncadd.s32 $0xFFFFC000  }
0x87: {  	[spmem:s2] =	stream.indirect.scatter.add.f32 [tilespmem:s18], [sflag:$0x4], $0x80, s24, s16, $0xb8;
	[tilespmem:$0x1E800] =	vst v63  }
0x88: {  	_ =	swait.ge [sflag:s21], $0x4000  }
0x89: {  	[sflag:s21] =	ssyncset.done $0x0  }
0x8a: {  	[sflag:s21] =	ssyncadd.s32 $0xFFFFC000  }
0x8b: {  	_ =	swait.ge [sflag:s22], $0x4000  }
0x8c: {  	s25 =	sadd.s32 $0x1, s25;
	[sflag:s22] =	ssyncset.done $0x0  }
0x8d: {  	p0 =	sne.s32 s25, s12;
	[sflag:s22] =	ssyncadd.s32 $0xFFFFC000  }
.Ltmp2:
0x8e: {  	[bflag:$0x0] =	sbarrier.arrive $0xFFFF;
	(pc) =	sbr.rel @p0 .LBB2_1-.Ltmp2, $4  }
0x8f: {  	[hbm:s11], [sflag:s6] =	dma.local [spmem:s13], $0x2800  }
0x90: {  	_ =	swait.ge [sflag:s14], $0x2800  }
0x91: {  	[sflag:s14] =	ssyncset.done $0x0  }
0x92: {  	[sflag:s14] =	ssyncadd.s32 $0xFFFFD800  }
0x93: {  	_ =	sfence.sel $0x180000  }
0x94: {  	[bflag:$0x0] =	sbarrier.arrive $0xFFFF  }
0x95: {  	p0 =	sne.s32 s0, $0x0;
	_ =	strace $0x9000004D  }
0x96: {  	s0 =	sadd.s32 @!p0 $0x100000, s1;
	[bflag:$0x2] =	sbarrier.arrive $0xFFFF  }
0x97: {  	[sflag:s0] =	ssyncadd.tile.s32 @!p0 $0x1;
	_ =	shalt  }
.Lfunc_end2:
_tile_overlayer_lowered:
.L_overlay_start_2:
0x98: {  	(tag) =	ssettag $0x2  }
0x99: {  	s0 =	rddreg [dreg:$0x0];
	s2 =	stileid.u32  }
0x9a: {  	s1 =	rddreg [dreg:$0x1];
	p0 =	sne.s32 s2, $0x0  }
0x9b: {  	s3 =	rddreg [dreg:$0x2];
	[bflag:$0x3] =	sbarrier.arrive $0xFFFF;
	s2 =	simm.s32 @!p0 $0x1C05  }
0x9c: {  	[timem:s3], [sflag:s2] =	dma.local @!p0 [hbm:s0], s1  }
0x9d: {  	s0 =	simm.s32 @!p0 $0x5  }
0x9e: {  	_ =	swait.ge @!p0 [sflag:s0], s1  }
0x9f: {  	s1 =	ssub.s32 @!p0 $0x0, s1;
	[sflag:s0] =	ssyncset.done @!p0 $0x0  }
0xa0: {  	[sflag:s0] =	ssyncadd.s32 @!p0 s1  }
0xa1: {  	[bflag:$0x3] =	sbarrier.arrive $0xFFFF  }
0xa2: {  	_ =	shalt  }

// kernel: kernel.8.cloned.1.call-start
scs
__scs_entry_jumppad:
0x0: {  	(pc) =	sbr.rel $0x88, $3  }
0x1: {  	(tag) =	ssettag $0x0;
	lr =	simm.s32 $0x1  }
0x2: {  	[smem:$0x3F97] =	sst lr;
	_ =	strace $0xD0000000  }
0x3: {  	_ = 	snop  }
0x4: {  	_ = 	snop  }
0x5: {  	_ = 	snop  }
0x6: {  	_ = 	snop  }
0x7: {  	_ = 	snop  }
__scs_overlays_trampoline_lowered:
0x8: {  	[smem:$0x3FA6] =	sst s0  }
0x9: {  	[smem:$0x3FA7] =	sst s1  }
0xa: {  	[smem:$0x3FA8] =	sst s2  }
0xb: {  	[smem:$0x3FA9] =	sst s3  }
0xc: {  	[smem:$0x3FAA] =	sst s4  }
0xd: {  	[smem:$0x3FAB] =	sst s5  }
0xe: {  	[smem:$0x3FAC] =	sst s6  }
0xf: {  	[smem:$0x3FAD] =	sst s7  }
0x10: {  	[smem:$0x3FAE] =	sst s8  }
0x11: {  	[smem:$0x3FAF] =	sst s9;
	s0 =	simm.s32 @!p0 $0x0  }
0x12: {  	s1 =	sld [smem:$0x3F95];
	s0 =	simm.s32 @p0 $0x1  }
0x13: {  	[smem:$0x3FB0] =	sst s0;
	s0 =	simm.s32 @!p1 $0x0  }
0x14: {  	s2 =	sld [smem:$0x3F94];
	s0 =	simm.s32 @p1 $0x1  }
0x15: {  	[smem:$0x3FB1] =	sst s0;
	s0 =	simm.s32 @!p2 $0x0  }
0x16: {  	s3 =	sld [smem:$0x3FDB];
	s0 =	simm.s32 @p2 $0x1  }
0x17: {  	s4 =	simm.s32 $0x1BF5;
	[smem:$0x3FB3] =	sst s0  }
0x18: {  	s0 =	sld [smem:$0x3F96];
	_ =	swait.ge [sflag:s4], $0x0  }
0x19: {  	s7 =	sld [smem:$0x3F97]  }
0x1a: {  	s8 =	sadd.s32 $0xFFFFE003, lr  }
0x1b: {  	s9 =	sadd.s32 $0xFFFFFEF7, lr;
	s5 =	simm.s32 $0xFFFFFFFF;
	p2 =	slt.u32 s8, $0xFFFFF086  }
0x1c: {  	p1 =	slt.u32 s9, $0xF7A;
	s5 =	simm.s32 @!p2 $0x0  }
0x1d: {  	s5 =	simm.s32 @p1 $0x1;
	p0 =	seq.s32 s7, s2  }
0x1e: {  	s7 =	smul.u32 @!p0 $0xF7A, s2;
	p2 =	seq.s32 @!p0 s5, $0x0  }
0x1f: {  	s9 =	smul.u32 $0xF7A, s1;
	s8 =	simm.s32 @!p0 $0x1BF5;
	p2 =	por !p2, p0  }
0x20: {  	[sflag:s8] =	ssyncset.s32 @!p0 $0xFFFFF086;
	s6 =	sadd.s32 @!p0 s3, s7;
	s7 =	simm.s32 @!p0 $0x108  }
0x21: {  	s3 =	sadd.s32 s3, s9;
	s6 =	sadd.s32 @!p0 $0x88, s6;
	s7 =	simm.s32 @p2 $0x1082  }
0x22: {  	[simem:s7], [sflag:s8] =	dma.local @!p0 [hbm:s6], $0xF7A  }
0x23: {  	s9 =	sor.u32 $0xD0000000, s2;
	s6 =	simm.s32 $0x108;
	_ =	swait.ge @!p0 [sflag:s8], $0x0  }
0x24: {  	s3 =	sadd.s32 $0x88, s3;
	s6 =	simm.s32 @!p1 $0x1082;
	[sflag:s4] =	ssyncset.s32 $0xFFFFF086  }
0x25: {  	[simem:s6], [sflag:s4] =	dma.local [hbm:s3], $0xF7A  }
0x26: {  	[smem:$0x3F97] =	sst s1;
	(tag) =	ssettag s2;
	_ =	strace s9  }
0x27: {  	s1 =	sld [smem:$0x3FA7]  }
0x28: {  	s2 =	sld [smem:$0x3FA8]  }
0x29: {  	s4 =	sld [smem:$0x3FAA]  }
0x2a: {  	p0 =	seq.s32 s5, $0x0;
	s5 =	sld [smem:$0x3FAB]  }
0x2b: {  	s6 =	sld [smem:$0x3FAC]  }
0x2c: {  	s7 =	sld [smem:$0x3FAD]  }
0x2d: {  	s3 =	simm.s32 $0x108;
	s8 =	sld [smem:$0x3FAE]  }
0x2e: {  	s3 =	simm.s32 @!p0 $0x1082;
	s9 =	sld [smem:$0x3FAF]  }
0x2f: {  	lr =	sadd.s32 s0, s3;
	s0 =	sld [smem:$0x3FA6]  }
0x30: {  	s3 =	sld [smem:$0x3FA9]  }
0x31: {  	[smem:$0x3FB2] =	sst s10  }
0x32: {  	s10 =	sld [smem:$0x3FB0];
	_ =	sdelay $0x3  }
0x33: {  	p0 =	seq.s32 s10, $0x1;
	s10 =	sld [smem:$0x3FB2];
	_ =	sdelay $0x3  }
0x34: {  	[smem:$0x3FB2] =	sst s10  }
0x35: {  	s10 =	sld [smem:$0x3FB1];
	_ =	sdelay $0x3  }
0x36: {  	p1 =	seq.s32 s10, $0x1;
	s10 =	sld [smem:$0x3FB2];
	_ =	sdelay $0x3  }
0x37: {  	[smem:$0x3FB2] =	sst s10  }
0x38: {  	s10 =	sld [smem:$0x3FB3]  }
0x39: {  	_ = 	snop;
	(pc) =	sbr.ind lr, $3  }
0x3a: {  	_ = 	snop  }
0x3b: {  	_ = 	snop  }
0x3c: {  	p2 =	seq.s32 s10, $0x1;
	s10 =	sld [smem:$0x3FB2]  }
0x3d: {  	_ =	shalt  }
0x3e: {  	_ =	shalt  }
0x3f: {  	_ =	shalt  }
0x40: {  	_ =	shalt  }
0x41: {  	_ =	shalt  }
0x42: {  	_ =	shalt  }
0x43: {  	_ =	shalt  }
0x44: {  	_ =	shalt  }
0x45: {  	_ =	shalt  }
0x46: {  	_ =	shalt  }
0x47: {  	_ =	shalt  }
0x48: {  	_ =	shalt  }
0x49: {  	_ =	shalt  }
0x4a: {  	_ =	shalt  }
0x4b: {  	_ =	shalt  }
0x4c: {  	_ =	shalt  }
0x4d: {  	_ =	shalt  }
0x4e: {  	_ =	shalt  }
0x4f: {  	_ =	shalt  }
0x50: {  	_ =	shalt  }
0x51: {  	_ =	shalt  }
0x52: {  	_ =	shalt  }
0x53: {  	_ =	shalt  }
0x54: {  	_ =	shalt  }
0x55: {  	_ =	shalt  }
0x56: {  	_ =	shalt  }
0x57: {  	_ =	shalt  }
0x58: {  	_ =	shalt  }
0x59: {  	_ =	shalt  }
0x5a: {  	_ =	shalt  }
0x5b: {  	_ =	shalt  }
0x5c: {  	_ =	shalt  }
0x5d: {  	_ =	shalt  }
0x5e: {  	_ =	shalt  }
0x5f: {  	_ =	shalt  }
0x60: {  	_ =	shalt  }
0x61: {  	_ =	shalt  }
0x62: {  	_ =	shalt  }
0x63: {  	_ =	shalt  }
0x64: {  	_ =	shalt  }
0x65: {  	_ =	shalt  }
0x66: {  	_ =	shalt  }
0x67: {  	_ =	shalt  }
0x68: {  	_ =	shalt  }
0x69: {  	_ =	shalt  }
0x6a: {  	_ =	shalt  }
0x6b: {  	_ =	shalt  }
0x6c: {  	_ =	shalt  }
0x6d: {  	_ =	shalt  }
0x6e: {  	_ =	shalt  }
0x6f: {  	_ =	shalt  }
0x70: {  	_ =	shalt  }
0x71: {  	_ =	shalt  }
0x72: {  	_ =	shalt  }
0x73: {  	_ =	shalt  }
0x74: {  	_ =	shalt  }
0x75: {  	_ =	shalt  }
0x76: {  	_ =	shalt  }
0x77: {  	_ =	shalt  }
0x78: {  	_ =	shalt  }
0x79: {  	_ =	shalt  }
0x7a: {  	_ =	shalt  }
0x7b: {  	_ =	shalt  }
0x7c: {  	_ =	shalt  }
0x7d: {  	_ =	shalt  }
0x7e: {  	_ =	shalt  }
0x7f: {  	_ =	shalt  }
0x80: {  	_ =	shalt  }
0x81: {  	_ =	shalt  }
0x82: {  	_ =	shalt  }
0x83: {  	_ =	shalt  }
0x84: {  	_ =	shalt  }
0x85: {  	_ =	shalt  }
0x86: {  	_ =	shalt  }
0x87: {  	_ =	shalt  }
.Lfunc_end0:
.L_simem_size_0:
called_computation_lowered:
.L_overlay_start_0:
0x88: {  	s2 =	sld [smem:$0x3FD9]  }
0x89: {  	s3 =	sld [smem:$0x3FFE];
	_ =	sdelay $0x1  }
0x8a: {  	s1 =	srdreg.scid  }
0x8b: {  	s0 =	sand.u32 $0x1, s1  }
0x8c: {  	s14 =	sshll.u32 s0, $0xA;
	s2 =	sadd.s32 s3, s2  }
0x8d: {  	s2 =	sadd.s32 s2, s14  }
0x8e: {  	[smem:$0x3FBE] =	sst s2  }
0x8f: {  	_ = 	snop  }
0x90: {  	s2 =	sld [smem:$0x3FD0];
	_ =	sdelay $0x2  }
0x91: {  	s15 =	simm.s32 $0xA;
	s4 =	simm.s32 $0x10  }
0x92: {  	[smem:s4], [sflag:s15] =	dma.local [hbm:s2], $0x1  }
0x93: {  	_ =	swait.eq [sflag:s15], $0x1  }
0x94: {  	[sflag:s15] =	ssyncset.done $0x0  }
0x95: {  	[sflag:s15] =	ssyncadd.s32 $0xFFFFFFFF  }
0x96: {  	s16 =	sld [smem:$0x11];
	(tm) =	ssettm $0x1  }
0x97: {  	s17 =	sld [smem:$0x3FFB];
	_ =	sdelay $0x3  }
0x98: {  	_ =	strace s17  }
0x99: {  	s3 =	sld [smem:$0x3FFC];
	_ =	sdelay $0x3  }
0x9a: {  	_ =	strace s3  }
0x9b: {  	s3 =	sld [smem:$0x3FFD];
	_ =	sdelay $0x3  }
0x9c: {  	_ =	strace s3  }
0x9d: {  	_ =	strace $0x8FFFFFFF  }
0x9e: {  	s18 =	sld [smem:$0x3FDB];
	_ =	sdelay $0x1  }
0x9f: {  	s19 =	simm.s32 $_scs_section_size  }
0xa0: {  	s5 =	simm.s32 $_size__tile_overlayer_lowered;
	s6 =	simm.s32 $_tile_overlayer_lowered  }
0xa1: {  	s22 =	simm.s32 $0x1BFF;
	s21 =	sshll.u32 s6, $0x1;
	s3 =	sadd.s32 s19, s18  }
0xa2: {  	s7 =	simm.s32 $0x0;
	s20 =	sshll.u32 s5, $0x1;
	s5 =	sadd.s32 s21, s3  }
0xa3: {  	[timem:s7], [sflag:s22] =	dma.local [hbm:s5], s20  }
0xa4: {  	_ =	swait.ge [sflag:s22], s20  }
0xa5: {  	s4 =	ssub.s32 $0x0, s20;
	[sflag:s22] =	ssyncset.done $0x0  }
0xa6: {  	[sflag:s22] =	ssyncadd.s32 s4;
	_ =	sdelay $0x1  }
0xa7: {  	s23 =	simm.s32 $0x1B8B  }
0xa8: {  	_ =	swait.ge [sflag:s23], $0x1  }
0xa9: {  	[sflag:s23] =	ssyncset.done $0x0  }
0xaa: {  	s25 =	simm.s32 $0x1B8E;
	s24 =	sld [smem:$0x3FFE];
	[sflag:s23] =	ssyncadd.s32 $0xFFFFFFFF  }
0xab: {  	s26 =	simm.s32 $execute0_lowered;
	[smem:$0x3FD2] =	sst s25  }
0xac: {  	s5 =	sshll.u32 s26, $0x1;
	_ =	strace $0x80000046;
	[dreg:$0x1] =	wrdreg $0xFFFFFFFF  }
0xad: {  	s28 =	simm.s32 $_size_execute0_lowered;
	s3 =	sadd.s32 s3, s5;
	[dreg:$0x0] =	wrdreg $0x0  }
0xae: {  	s5 =	sshll.u32 s28, $0x1;
	[dreg:$0x2] =	wrdreg s3  }
0xaf: {  	[dreg:$0x3] =	wrdreg s5  }
0xb0: {  	[dreg:$0x4] =	wrdreg $0xC0  }
0xb1: {  	_ =	task [dreg:s7], $0x5FFFF  }
0xb2: {  	[dreg:$0x1] =	wrdreg $0xFFFFFFFF  }
0xb3: {  	[dreg:$0x0] =	wrdreg $0x60  }
0xb4: {  	[dreg:$0x2] =	wrdreg s16  }
0xb5: {  	[dreg:$0x3] =	wrdreg s24  }
0xb6: {  	[dreg:$0x4] =	wrdreg $0x68000  }
0xb7: {  	[dreg:$0x5] =	wrdreg $0x9  }
0xb8: {  	_ =	task.clear_ibuf [dreg:s7], $0x6FFFF;
	_ =	strace $0x90000046  }
0xb9: {  	s29 =	simm.s32 $0x9;
	_ =	strace $0x80000048  }
0xba: {  	_ =	swait.ge [sflag:s29], $0x1  }
0xbb: {  	[sflag:s29] =	ssyncadd.s32 $0xFFFFFFFF  }
0xbc: {  	_ =	strace $0x90000048  }
0xbd: {  	_ =	sfence  }
0xbe: {  	s30 =	sld [smem:$0x0];
	_ =	sdelay $0x2  }
0xbf: {  	s31 =	sshll.u32 s1, $0xD;
	s1 =	sshrl.u32 s1, $0x2  }
0xc0: {  	s3 =	sand.u32 $0x4000, s31;
	s1 =	sadd.s32 s1, s30  }
0xc1: {  	s0 =	sor.u32 s3, s0;
	s1 =	sshll.u32 s1, $0x11  }
0xc2: {  	s0 =	sor.u32 s1, s0  }
0xc3: {  	s0 =	sadd.s32 $0x8F2B, s0  }
0xc4: {  	[sflag:s0] =	ssyncadd.remote.s32 $0x1  }
0xc5: {  	_ =	sfence.sel $0xFFFF  }
0xc6: {  	[dreg:$0x0] =	wrdreg $0xFFFFFFFF;
	(pc) =	sbr.abs _section_cstart, $3  }
0xc7: {  	[dreg:$0x1] =	wrdreg $0xFFFFFFFF  }
0xc8: {  	_ =	task.clear_ibuf [dreg:s7], $0x2FFFF;
	_ =	strace $0x9FFFFFFF  }
0xc9: {  	(tm) =	ssettm $0x7FFFFFFF  }
tec
execute0_lowered:
.L_overlay_start_1:
0x0: {  	(tag) =	ssettag $0x1  }
0x1: {  	s5 =	rddreg [dreg:$0x0]  }
0x2: {  	s6 =	rddreg [dreg:$0x1]  }
0x3: {  	s2 =	rddreg [dreg:$0x2]  }
0x4: {  	s0 =	rddreg [dreg:$0x3]  }
0x5: {  	s1 =	stileid.u32;
	s4 =	srdreg.scid  }
0x6: {  	s3 =	simm.s32 $0x0;
	s13 =	simm.s32 $0x80;
	s14 =	simm.s32 $0x1  }
0x7: {  	s15 =	simm.s32 $0x0;
	s7 =	smul.u32 $0x14000, s1;
	s8 =	sand.u32 $0x1, s4  }
0x8: {  	[smem:$0x7FF] =	sst s3;
	s4 =	sadd.s32 $0x2BE00, s6;
	s28 =	smul.u32 $0x50000, s1  }
0x9: {  	s31 =	sshll.u32 s1, $0x6;
	s9 =	smul.u32 $0x140000, s8;
	s10 =	sshll.u32 s8, $0x4  }
0xa: {  	_ =	strace $0x80000047;
	s8 =	ssub.s32 $0x2, s8;
	s10 =	sor.u32 s1, s10  }
0xb: {  	s11 =	sshrl.u32 s7, $0x3;
	s29 =	sshrl.u32 s8, $0x1;
	s30 =	sshrl.u32 s28, $0x2  }
0xc: {  	s7 =	sadd.s32 s7, s9;
	s26 =	smul.u32 $0x500, s10;
	s11 =	sadd.s32 s11, s6  }
0xd: {  	s8 =	ssub.s32 s8, s29;
	s12 =	sadd.s32 s30, s2;
	s9 =	simm.s32 $0x2  }
0xe: {  	s10 =	simm.s32 $0x2800;
	s7 =	sshrl.u32 s7, $0x3;
	s8 =	smax.u32 s8, $0x1  }
0xf: {  	s12 =	sshrl.u32 s12, $0x3;
	s7 =	sadd.s32 s7, s6;
	s5 =	sadd.s32 s5, s26  }
0x10: {  	s6 =	sadd.s32 $0x3E00, s11;
	s11 =	sor.u32 $0x1C02, s31;
	s7 =	sadd.s32 $0x2C600, s7  }
.LBB2_1:
0x11: {  	[tilespmem:s3], [sflag:$0x2] =	stream.linear.gather [hbm4b:s5+s3], $0x2800, $0x38;
	[tilespmem:$0x1A800] =	vst v63  }
0x12: {  	_ =	swait.ge [sflag:s9], $0x2800  }
0x13: {  	[sflag:s9] =	ssyncset.done $0x0  }
0x14: {  	[sflag:s9] =	ssyncadd.s32 $0xFFFFD800  }
0x15: {  	[tilespmem:s10], [sflag:$0x2] =	stream.linear.gather [hbm4b:s4+s3], $0x4000, $0x38;
	[tilespmem:$0x1A800] =	vst v63  }
0x16: {  	_ =	swait.ge [sflag:s9], $0x4000  }
0x17: {  	[sflag:s9] =	ssyncset.done $0x0  }
0x18: {  	[sflag:s9] =	ssyncadd.s32 $0xFFFFC000  }
0x19: {  	[spmem:s12], [sflag:s11] =	dma.local [hbm:s6], $0x2800  }
0x1a: {  	_ =	swait.ge [sflag:s9], $0x2800  }
0x1b: {  	[sflag:s9] =	ssyncset.done $0x0  }
0x1c: {  	[sflag:s9] =	ssyncadd.s32 $0xFFFFD800  }
0x1d: {  	s16 =	simm.s32 $0x0;
	[bflag:$0x0] =	sbarrier.arrive $0xFFFF  }
.LBB2_2:
0x1e: {  	p0 =	sne.s32 s16, $0x9E00  }
.Ltmp0:
0x1f: {  	_ = 	snop;
	(pc) =	sbr.rel @p0 .LBB2_2-.Ltmp0, $3  }
0x20: {  	_ =	sdelay $0x1  }
0x21: {  	s17 =	sshra.s32 s16, $0x2;
	s16 =	sadd.s32 $0x200, s16  }
0x22: {  	[spmem:s2] =	stream.indirect.scatter.add.f32 [tilespmem:s10], [sflag:$0x1], $0x80, s17, s13, $0xb8;
	[tilespmem:$0x1A800] =	vst v63  }
0x23: {  	_ =	swait.ge [sflag:s14], $0x4000  }
0x24: {  	s16 =	simm.s32 $0x4F;
	[sflag:s14] =	ssyncset.done $0x0  }
.LBB2_4:
0x25: {  	p0 =	sne.s32 s16, $0x1;
	s16 =	sadd.s32 $0xFFFFFFFF, s16;
	[sflag:s14] =	ssyncadd.s32 $0xFFFFC000  }
.Ltmp1:
0x26: {  	(pc) =	sbr.rel @p0 .LBB2_4-.Ltmp1, $3  }
0x27: {  	_ =	sdelay $0x1  }
0x28: {  	_ =	swait.ge [sflag:s14], $0x4000  }
0x29: {  	[sflag:s14] =	ssyncset.done $0x0  }
0x2a: {  	s15 =	sadd.s32 $0x1, s15  }
0x2b: {  	[sflag:s14] =	ssyncadd.s32 $0xFFFFC000;
	p0 =	sne.s32 s15, s8  }
.Ltmp2:
0x2c: {  	[bflag:$0x0] =	sbarrier.arrive $0xFFFF;
	(pc) =	sbr.rel @p0 .LBB2_1-.Ltmp2, $4  }
0x2d: {  	[hbm:s7], [sflag:s11] =	dma.local [spmem:s12], $0x2800  }
0x2e: {  	_ =	swait.ge [sflag:s9], $0x2800  }
0x2f: {  	[sflag:s9] =	ssyncset.done $0x0  }
0x30: {  	[sflag:s9] =	ssyncadd.s32 $0xFFFFD800  }
0x31: {  	_ =	sfence.sel $0x180000  }
0x32: {  	[bflag:$0x0] =	sbarrier.arrive $0xFFFF  }
0x33: {  	p0 =	sne.s32 s1, $0x0;
	_ =	strace $0x90000047  }
0x34: {  	s0 =	sadd.s32 @!p0 $0x100000, s0;
	[bflag:$0x2] =	sbarrier.arrive $0xFFFF  }
0x35: {  	[sflag:s0] =	ssyncadd.tile.s32 @!p0 $0x1;
	_ =	shalt  }
.Lfunc_end2:
_tile_overlayer_lowered:
.L_overlay_start_2:
0x36: {  	(tag) =	ssettag $0x2  }
0x37: {  	s0 =	rddreg [dreg:$0x0];
	s2 =	stileid.u32  }
0x38: {  	s1 =	rddreg [dreg:$0x1];
	p0 =	sne.s32 s2, $0x0  }
0x39: {  	s3 =	rddreg [dreg:$0x2];
	[bflag:$0x3] =	sbarrier.arrive $0xFFFF;
	s2 =	simm.s32 @!p0 $0x1C02  }
0x3a: {  	[timem:s3], [sflag:s2] =	dma.local @!p0 [hbm:s0], s1  }
0x3b: {  	s0 =	simm.s32 @!p0 $0x2  }
0x3c: {  	_ =	swait.ge @!p0 [sflag:s0], s1  }
0x3d: {  	s1 =	ssub.s32 @!p0 $0x0, s1;
	[sflag:s0] =	ssyncset.done @!p0 $0x0  }
0x3e: {  	[sflag:s0] =	ssyncadd.s32 @!p0 s1  }
0x3f: {  	[bflag:$0x3] =	sbarrier.arrive $0xFFFF  }
0x40: {  	_ =	shalt  }

</sc_bundles>
